<compile_context>
chip_gen: v7x
topology: tpu7x:2x2x1
jax: 0.10.2.dev20260603
libtpu: 0.0.44.dev20260713+nightly
codegen_flags: <defaults>
</compile_context>

<pallas_src>
import functools

import jax
import jax.numpy as jnp
from jax import lax
from jax.experimental import pallas as pl
from jax.experimental.pallas import tpu as pltpu
from jax.experimental.pallas import tpu_sc as plsc

N = 100000
D = 512
L = 16
NBLK = D // L
BPI = 2
LOG2_JPI = 4
SC_ROWS = 8000
TC_BLOCK = 2000


def _sc_counts():
    try:
        info = plsc.get_sparse_core_info()
        return info.num_cores, info.num_subcores
    except Exception:
        return 2, 16


def _sc_body(bus_hbm, pf_hbm, table_hbm, out_hbm, bus_v, pf_v, table_v,
             outbuf_v, sem, *, nc, ns, rows_w, chunk):
    wid = lax.axis_index("s") * nc + lax.axis_index("c")
    pltpu.sync_copy(bus_hbm.at[wid], bus_v.at[pl.ds(0, rows_w)])
    pltpu.sync_copy(pf_hbm.at[wid], pf_v.at[pl.ds(0, 2 * rows_w)])
    pltpu.sync_copy(table_hbm, table_v)

    nchunks = rows_w // chunk
    base_row = wid * rows_w
    jpi = NBLK // BPI

    def chunk_body(k, _):
        buf = lax.rem(k, 2)

        @pl.when(k >= 2)
        def _():
            pltpu.make_async_copy(
                out_hbm.at[pl.ds(0, chunk)], outbuf_v.at[0], sem).wait()

        @plsc.parallel_loop(0, chunk * jpi, unroll=4)
        def q_body(q):
            r = lax.shift_right_logical(q, LOG2_JPI)
            jq = lax.bitwise_and(q, jpi - 1)
            i = k * chunk + r
            t = bus_v[pl.ds(i, L)][0]
            fv = pf_v[pl.ds(2 * i, L)]
            f0 = fv[0]
            f1 = fv[1]
            base = t * (3 * D)
            for s in range(BPI):
                col = (jq * BPI + s) * L
                w0 = table_v[pl.ds(base + col, L)]
                w1 = table_v[pl.ds(base + col + D, L)]
                bb = table_v[pl.ds(base + col + 2 * D, L)]
                x = f0 * w0 + f1 * w1 + bb
                e = jnp.exp(x + x)
                outbuf_v[buf, r, pl.ds(col, L)] = 1.0 - 2.0 / (e + 1.0)

        pltpu.async_copy(
            outbuf_v.at[buf],
            out_hbm.at[pl.ds(base_row + k * chunk, chunk)], sem)
        return 0

    lax.fori_loop(0, nchunks, chunk_body, 0)

    for _ in range(2):
        pltpu.make_async_copy(
            out_hbm.at[pl.ds(0, chunk)], outbuf_v.at[0], sem).wait()


def _sc_run(feat, bus_i, table, nc, ns):
    nw = nc * ns
    rows_w = SC_ROWS // nw
    chunk = 25

    bus3 = bus_i[:SC_ROWS].reshape(nw, rows_w)
    pf = feat[:SC_ROWS].reshape(nw, 2 * rows_w)

    mesh = plsc.VectorSubcoreMesh(core_axis_name="c", subcore_axis_name="s",
                                  num_cores=nc, num_subcores=ns)
    run = pl.kernel(
        functools.partial(_sc_body, nc=nc, ns=ns, rows_w=rows_w,
                          chunk=chunk),
        out_type=jax.ShapeDtypeStruct((SC_ROWS, D), jnp.float32),
        mesh=mesh,
        compiler_params=pltpu.CompilerParams(use_tc_tiling_on_sc=False),
        scratch_types=[
            pltpu.VMEM((rows_w + L,), jnp.int32),
            pltpu.VMEM((2 * rows_w + L,), jnp.float32),
            pltpu.VMEM((4 * 3 * D,), jnp.float32),
            pltpu.VMEM((2, chunk, D), jnp.float32),
            pltpu.SemaphoreType.DMA,
        ],
    )
    return run(bus3, pf, table.reshape(-1))


_OFF = SC_ROWS // TC_BLOCK


def _tc_body(scin_ref, feat_ref, bus_ref, t9_ref, out_ref):
    pid = pl.program_id(0)

    @pl.when(pid < _OFF)
    def _():
        out_ref[...] = scin_ref[...]

    @pl.when(pid >= _OFF)
    def _():
        f = feat_ref[...]
        t = bus_ref[...]
        f0 = f[:, 0:1]
        f1 = f[:, 1:2]
        ci = lax.broadcasted_iota(jnp.int32, (TC_BLOCK, 9), 1)
        texp = ci // 3 + 1
        sel = ci % 3
        fsel = jnp.where(sel == 0, f0, jnp.where(sel == 1, f1, 1.0))
        rm = jnp.where(t == texp, fsel, 0.0)
        acc = jnp.dot(rm, t9_ref[...], preferred_element_type=jnp.float32)
        out_ref[...] = jnp.tanh(acc)


def _tc_run(sc_out, feat, bus_i, t9):
    grid = (N // TC_BLOCK,)

    scin_blk = pl.BlockSpec((TC_BLOCK, D),
                            lambda i: (jnp.minimum(i, _OFF - 1), 0))
    row_blk = pl.BlockSpec((TC_BLOCK, 2), lambda i: (i, 0))
    bus_blk = pl.BlockSpec((TC_BLOCK, 1), lambda i: (i, 0))
    t9_blk = pl.BlockSpec((9, D), lambda i: (0, 0))
    out_blk = pl.BlockSpec((TC_BLOCK, D), lambda i: (i, 0))

    return pl.pallas_call(
        _tc_body,
        grid=grid,
        in_specs=[scin_blk, row_blk, bus_blk, t9_blk],
        out_specs=out_blk,
        out_shape=jax.ShapeDtypeStruct((N, D), jnp.float32),
        compiler_params=pltpu.CompilerParams(
            dimension_semantics=("parallel",)),
    )(sc_out, feat, bus_i[:, None], t9)


def kernel(feat, bus_type, W_slack, b_slack, W_gen, b_gen, W_load, b_load):
    nc, ns = _sc_counts()
    bus_i = bus_type.astype(jnp.int32)

    z = jnp.zeros((3, D), jnp.float32)
    mk = lambda W, b: jnp.concatenate([W, b[None, :]], axis=0)
    table = jnp.stack([z, mk(W_slack, b_slack), mk(W_gen, b_gen),
                       mk(W_load, b_load)])

    sc_out = _sc_run(feat, bus_i, table, nc, ns)
    return _tc_run(sc_out, feat, bus_i, table[1:].reshape(9, D))

# --- scband reference (transcript-rebuilt; emitter-appended) ---
"""Pipeline reference for scband-bus-embedding-20873541059064 (READ-ONLY COPY).

The authoritative reference and input builder live on the scoring server;
editing this copy changes nothing except your own understanding.
"""

import jax, jax.numpy as jnp
import numpy as np

N = 100000
D = 512

def _init_linear(key, fan_in, fan_out):
    k1, k2 = jax.random.split(key)
    bound = 1.0 / np.sqrt(fan_in)
    W = jax.random.uniform(k1, (fan_in, fan_out), minval=-bound, maxval=bound, dtype=jnp.float32)
    b = jax.random.uniform(k2, (fan_out,), minval=-bound, maxval=bound, dtype=jnp.float32)
    return W, b

def setup_inputs(seed: int = 0) -> dict:
    key = jax.random.key(seed)
    kf, kt, k1, k2, k3 = jax.random.split(key, 5)
    feat = jax.random.normal(kf, (N, 2), dtype=jnp.float32)
    # randint fill with fill_max=4 -> values in [0, 4); types 1/2/3 are routed, 0 stays zero
    bus_type = jax.random.randint(kt, (N,), 0, 4)
    W_slack, b_slack = _init_linear(k1, 2, D)
    W_gen, b_gen = _init_linear(k2, 2, D)
    W_load, b_load = _init_linear(k3, 2, D)
    return {"feat": feat, "bus_type": bus_type,
            "W_slack": W_slack, "b_slack": b_slack,
            "W_gen": W_gen, "b_gen": b_gen,
            "W_load": W_load, "b_load": b_load}

def reference(feat, bus_type, W_slack, b_slack, W_gen, b_gen, W_load, b_load):
    # Faithful translation: out starts at zeros; rows are overwritten by the
    # expert matching their bus_type (1=slack, 2=gen, 3=load). Masks are
    # mutually exclusive so masked-add equals masked-overwrite.
    m1 = (bus_type == 1)[:, None]
    m2 = (bus_type == 2)[:, None]
    m3 = (bus_type == 3)[:, None]
    slack_out = jnp.tanh(feat @ W_slack + b_slack)
    gen_out = jnp.tanh(feat @ W_gen + b_gen)
    load_out = jnp.tanh(feat @ W_load + b_load)
    zeros = jnp.zeros((feat.shape[0], D), dtype=feat.dtype)
    out = zeros
    out = jnp.where(m1, slack_out, out)
    out = jnp.where(m2, gen_out, out)
    out = jnp.where(m3, load_out, out)
    return out

if __name__ == "__main__":
    import jax
    _d = setup_inputs()
    print(jax.jit(kernel)(*tuple(_d.values())))

</pallas_src>

<mosaic_0001>
#map = affine_map<(d0, d1) -> (0, 0)>
#map1 = affine_map<(d0, d1) -> (0)>
module attributes {stable_mosaic.version = 14 : i64} {
  func.func @_sc_body(%arg0: i32, %arg1: i32, %arg2: memref<32x250xi32, #tpu.memory_space<hbm>>, %arg3: memref<32x500xf32, #tpu.memory_space<hbm>>, %arg4: memref<6144xf32, #tpu.memory_space<hbm>>, %arg5: memref<8000x512xf32, #tpu.memory_space<hbm>>, %arg6: memref<266xi32, #tpu.memory_space<vmem>>, %arg7: memref<516xf32, #tpu.memory_space<vmem>>, %arg8: memref<6144xf32, #tpu.memory_space<vmem>>, %arg9: memref<2x25x512xf32, #tpu.memory_space<vmem>>, %arg10: memref<!tpu.dma_semaphore, #tpu.memory_space<semaphore_mem>>) attributes {dimension_semantics = [#tpu.dimension_semantics<core_parallel>, #tpu.dimension_semantics<subcore_parallel>], iteration_bounds = array<i64: 2, 16>, scalar_prefetch = 0 : i64, scratch_operands = 5 : i64, tpu.core_type = #tpu.core_type<sc_vector_subcore>, window_params = [{transform_indices = #map}, {transform_indices = #map}, {transform_indices = #map1}, {transform_indices = #map}]} {
    %mul3A = arith.constant 2 : i32
    %mul3A_0 = arith.muli %arg1, %mul3A : i32
    %add3A = arith.addi %mul3A_0, %arg0 : i32
    "tpu.region"() ({
      %run_scoped3A = tpu.sem_alloc : memref<!tpu.dma_semaphore, #tpu.memory_space<semaphore_mem>>
      %dma_start3A = arith.constant 0 : i32
      %dma_start3A_38 = tpu.memref_slice %arg6[%dma_start3A] : memref<266xi32, #tpu.memory_space<vmem>> -> memref<250xi32, #tpu.memory_space<vmem>>
      %dma_start3A_39 = arith.constant 0 : i32
      %dma_start3A_40 = tpu.memref_slice %arg2[%add3A, %dma_start3A_39] : memref<32x250xi32, #tpu.memory_space<hbm>> -> memref<1x250xi32, #tpu.memory_space<hbm>>
      %dma_start3A_41 = tpu.memref_squeeze %dma_start3A_40 : memref<1x250xi32, #tpu.memory_space<hbm>> -> memref<250xi32, #tpu.memory_space<hbm>>
      %dma_start3A_42 = arith.constant 0 : i32
      %dma_start3A_43 = tpu.memref_slice %arg6[%dma_start3A_42] : memref<266xi32, #tpu.memory_space<vmem>> -> memref<250xi32, #tpu.memory_space<vmem>>
      %dma_start3A_44 = arith.constant 0 : i32
      %dma_start3A_45 = tpu.memref_slice %arg2[%add3A, %dma_start3A_44] : memref<32x250xi32, #tpu.memory_space<hbm>> -> memref<1x250xi32, #tpu.memory_space<hbm>>
      %dma_start3A_46 = tpu.memref_squeeze %dma_start3A_45 : memref<1x250xi32, #tpu.memory_space<hbm>> -> memref<250xi32, #tpu.memory_space<hbm>>
      tpu.enqueue_dma source(%dma_start3A_46 : memref<250xi32, #tpu.memory_space<hbm>>) target(%dma_start3A_43 : memref<250xi32, #tpu.memory_space<vmem>>) target_semaphore(%run_scoped3A : memref<!tpu.dma_semaphore, #tpu.memory_space<semaphore_mem>>)
      %dma_wait3A_47 = arith.constant 0 : i32
      %dma_wait3A_48 = tpu.memref_slice %arg6[%dma_wait3A_47] : memref<266xi32, #tpu.memory_space<vmem>> -> memref<250xi32, #tpu.memory_space<vmem>>
      %dma_wait3A_49 = arith.constant 0 : i32
      %dma_wait3A_50 = tpu.memref_slice %arg2[%add3A, %dma_wait3A_49] : memref<32x250xi32, #tpu.memory_space<hbm>> -> memref<1x250xi32, #tpu.memory_space<hbm>>
      %dma_wait3A_51 = tpu.memref_squeeze %dma_wait3A_50 : memref<1x250xi32, #tpu.memory_space<hbm>> -> memref<250xi32, #tpu.memory_space<hbm>>
      %dma_wait3A_52 = arith.constant 0 : i32
      %dma_wait3A_53 = tpu.memref_slice %arg6[%dma_wait3A_52] : memref<266xi32, #tpu.memory_space<vmem>> -> memref<250xi32, #tpu.memory_space<vmem>>
      %dma_wait3A_54 = arith.constant 0 : i32
      %dma_wait3A_55 = tpu.memref_slice %arg2[%add3A, %dma_wait3A_54] : memref<32x250xi32, #tpu.memory_space<hbm>> -> memref<1x250xi32, #tpu.memory_space<hbm>>
      %dma_wait3A_56 = tpu.memref_squeeze %dma_wait3A_55 : memref<1x250xi32, #tpu.memory_space<hbm>> -> memref<250xi32, #tpu.memory_space<hbm>>
      tpu.wait_dma2 semaphore(%run_scoped3A : memref<!tpu.dma_semaphore, #tpu.memory_space<semaphore_mem>>) src(%dma_wait3A_56 : memref<250xi32, #tpu.memory_space<hbm>>) dst(%dma_wait3A_53 : memref<250xi32, #tpu.memory_space<vmem>>)
      tpu.yield
    }) : () -> ()
    "tpu.region"() ({
      %run_scoped3A = tpu.sem_alloc : memref<!tpu.dma_semaphore, #tpu.memory_space<semaphore_mem>>
      %dma_start3A = arith.constant 0 : i32
      %dma_start3A_38 = tpu.memref_slice %arg7[%dma_start3A] : memref<516xf32, #tpu.memory_space<vmem>> -> memref<500xf32, #tpu.memory_space<vmem>>
      %dma_start3A_39 = arith.constant 0 : i32
      %dma_start3A_40 = tpu.memref_slice %arg3[%add3A, %dma_start3A_39] : memref<32x500xf32, #tpu.memory_space<hbm>> -> memref<1x500xf32, #tpu.memory_space<hbm>>
      %dma_start3A_41 = tpu.memref_squeeze %dma_start3A_40 : memref<1x500xf32, #tpu.memory_space<hbm>> -> memref<500xf32, #tpu.memory_space<hbm>>
      %dma_start3A_42 = arith.constant 0 : i32
      %dma_start3A_43 = tpu.memref_slice %arg7[%dma_start3A_42] : memref<516xf32, #tpu.memory_space<vmem>> -> memref<500xf32, #tpu.memory_space<vmem>>
      %dma_start3A_44 = arith.constant 0 : i32
      %dma_start3A_45 = tpu.memref_slice %arg3[%add3A, %dma_start3A_44] : memref<32x500xf32, #tpu.memory_space<hbm>> -> memref<1x500xf32, #tpu.memory_space<hbm>>
      %dma_start3A_46 = tpu.memref_squeeze %dma_start3A_45 : memref<1x500xf32, #tpu.memory_space<hbm>> -> memref<500xf32, #tpu.memory_space<hbm>>
      tpu.enqueue_dma source(%dma_start3A_46 : memref<500xf32, #tpu.memory_space<hbm>>) target(%dma_start3A_43 : memref<500xf32, #tpu.memory_space<vmem>>) target_semaphore(%run_scoped3A : memref<!tpu.dma_semaphore, #tpu.memory_space<semaphore_mem>>)
      %dma_wait3A_47 = arith.constant 0 : i32
      %dma_wait3A_48 = tpu.memref_slice %arg7[%dma_wait3A_47] : memref<516xf32, #tpu.memory_space<vmem>> -> memref<500xf32, #tpu.memory_space<vmem>>
      %dma_wait3A_49 = arith.constant 0 : i32
      %dma_wait3A_50 = tpu.memref_slice %arg3[%add3A, %dma_wait3A_49] : memref<32x500xf32, #tpu.memory_space<hbm>> -> memref<1x500xf32, #tpu.memory_space<hbm>>
      %dma_wait3A_51 = tpu.memref_squeeze %dma_wait3A_50 : memref<1x500xf32, #tpu.memory_space<hbm>> -> memref<500xf32, #tpu.memory_space<hbm>>
      %dma_wait3A_52 = arith.constant 0 : i32
      %dma_wait3A_53 = tpu.memref_slice %arg7[%dma_wait3A_52] : memref<516xf32, #tpu.memory_space<vmem>> -> memref<500xf32, #tpu.memory_space<vmem>>
      %dma_wait3A_54 = arith.constant 0 : i32
      %dma_wait3A_55 = tpu.memref_slice %arg3[%add3A, %dma_wait3A_54] : memref<32x500xf32, #tpu.memory_space<hbm>> -> memref<1x500xf32, #tpu.memory_space<hbm>>
      %dma_wait3A_56 = tpu.memref_squeeze %dma_wait3A_55 : memref<1x500xf32, #tpu.memory_space<hbm>> -> memref<500xf32, #tpu.memory_space<hbm>>
      tpu.wait_dma2 semaphore(%run_scoped3A : memref<!tpu.dma_semaphore, #tpu.memory_space<semaphore_mem>>) src(%dma_wait3A_56 : memref<500xf32, #tpu.memory_space<hbm>>) dst(%dma_wait3A_53 : memref<500xf32, #tpu.memory_space<vmem>>)
      tpu.yield
    }) : () -> ()
    "tpu.region"() ({
      %run_scoped3A = tpu.sem_alloc : memref<!tpu.dma_semaphore, #tpu.memory_space<semaphore_mem>>
      tpu.enqueue_dma source(%arg4 : memref<6144xf32, #tpu.memory_space<hbm>>) target(%arg8 : memref<6144xf32, #tpu.memory_space<vmem>>) target_semaphore(%run_scoped3A : memref<!tpu.dma_semaphore, #tpu.memory_space<semaphore_mem>>)
      tpu.wait_dma2 semaphore(%run_scoped3A : memref<!tpu.dma_semaphore, #tpu.memory_space<semaphore_mem>>) src(%arg4 : memref<6144xf32, #tpu.memory_space<hbm>>) dst(%arg8 : memref<6144xf32, #tpu.memory_space<vmem>>)
      tpu.yield
    }) : () -> ()
    %mul3A_1 = arith.constant 250 : i32
    %mul3A_2 = arith.muli %add3A, %mul3A_1 : i32
    %scan3A = arith.constant 0 : i32
    %scan3A_3 = arith.constant 0 : i32
    %scan3A_4 = arith.constant 10 : i32
    %scan3A_5 = arith.addi %scan3A_3, %scan3A_4 : i32
    %scan3A_6 = arith.constant 1 : i32
    %scan3A_7 = scf.for %scan3A_38 = %scan3A_3 to %scan3A_5 step %scan3A_6 iter_args(%scan3A_39 = %scan3A) -> (i32)  : i32 {
      %rem3A = arith.constant 2 : i32
      %rem3A_40 = arith.remsi %scan3A_38, %rem3A : i32
      %ge3A = arith.constant 2 : i32
      %ge3A_41 = arith.cmpi sge, %scan3A_38, %ge3A : i32
      %convert_element_type3A = arith.extui %ge3A_41 : i1 to i32
      %cond3A = arith.constant 0 : i32
      %cond3A_42 = arith.cmpi ne, %convert_element_type3A, %cond3A : i32
      scf.if %cond3A_42 {
        %dma_wait3A_60 = arith.constant 0 : i32
        %dma_wait3A_61 = arith.constant 0 : i32
        %dma_wait3A_62 = arith.constant 0 : i32
        %dma_wait3A_63 = tpu.memref_slice %arg9[%dma_wait3A_60, %dma_wait3A_61, %dma_wait3A_62] : memref<2x25x512xf32, #tpu.memory_space<vmem>> -> memref<1x25x512xf32, #tpu.memory_space<vmem>>
        %dma_wait3A_64 = tpu.memref_squeeze %dma_wait3A_63 : memref<1x25x512xf32, #tpu.memory_space<vmem>> -> memref<25x512xf32, #tpu.memory_space<vmem>>
        %dma_wait3A_65 = arith.constant 0 : i32
        %dma_wait3A_66 = arith.constant 0 : i32
        %dma_wait3A_67 = tpu.memref_slice %arg5[%dma_wait3A_65, %dma_wait3A_66] : memref<8000x512xf32, #tpu.memory_space<hbm>> -> memref<25x512xf32, #tpu.memory_space<hbm>>
        %dma_wait3A_68 = arith.constant 0 : i32
        %dma_wait3A_69 = arith.constant 0 : i32
        %dma_wait3A_70 = tpu.memref_slice %arg9[%dma_wait3A_60, %dma_wait3A_68, %dma_wait3A_69] : memref<2x25x512xf32, #tpu.memory_space<vmem>> -> memref<1x25x512xf32, #tpu.memory_space<vmem>>
        %dma_wait3A_71 = tpu.memref_squeeze %dma_wait3A_70 : memref<1x25x512xf32, #tpu.memory_space<vmem>> -> memref<25x512xf32, #tpu.memory_space<vmem>>
        %dma_wait3A_72 = arith.constant 0 : i32
        %dma_wait3A_73 = arith.constant 0 : i32
        %dma_wait3A_74 = tpu.memref_slice %arg5[%dma_wait3A_72, %dma_wait3A_73] : memref<8000x512xf32, #tpu.memory_space<hbm>> -> memref<25x512xf32, #tpu.memory_space<hbm>>
        tpu.wait_dma2 semaphore(%arg10 : memref<!tpu.dma_semaphore, #tpu.memory_space<semaphore_mem>>) src(%dma_wait3A_74 : memref<25x512xf32, #tpu.memory_space<hbm>>) dst(%dma_wait3A_71 : memref<25x512xf32, #tpu.memory_space<vmem>>)
      } else {
      }
      %parallel_loop3A = arith.constant 0 : i32
      %parallel_loop3A_43 = arith.constant 400 : i32
      %parallel_loop3A_44 = arith.constant 1 : i32
      scf.for %parallel_loop3A_60 = %parallel_loop3A to %parallel_loop3A_43 step %parallel_loop3A_44  : i32 {
        %parallel_loop3A_61 = arith.constant 4 : i32
        %parallel_loop3A_62 = arith.shrui %parallel_loop3A_60, %parallel_loop3A_61 : i32
        %parallel_loop3A_63 = arith.constant 15 : i32
        %parallel_loop3A_64 = arith.andi %parallel_loop3A_60, %parallel_loop3A_63 : i32
        %parallel_loop3A_65 = arith.constant 25 : i32
        %parallel_loop3A_66 = arith.muli %scan3A_38, %parallel_loop3A_65 : i32
        %parallel_loop3A_67 = arith.addi %parallel_loop3A_66, %parallel_loop3A_62 : i32
        %parallel_loop3A_68 = arith.index_cast %parallel_loop3A_67 : i32 to index
        %parallel_loop3A_69 = tpu.vector_load %arg6[%parallel_loop3A_68] {strides = array<i32>} : memref<266xi32, #tpu.memory_space<vmem>>, vector<16xi32>,
        %parallel_loop3A_70 = vector.shape_cast %parallel_loop3A_69 : vector<16xi32> to vector<16xi32>
        %parallel_loop3A_71 = vector.extract_strided_slice %parallel_loop3A_70 {offsets = [0], sizes = [1], strides = [1]} : vector<16xi32> to vector<1xi32>
        %parallel_loop3A_72 = vector.extract %parallel_loop3A_71[0] : i32 from vector<1xi32>
        %parallel_loop3A_73 = arith.constant 2 : i32
        %parallel_loop3A_74 = arith.muli %parallel_loop3A_73, %parallel_loop3A_67 : i32
        %parallel_loop3A_75 = arith.index_cast %parallel_loop3A_74 : i32 to index
        %parallel_loop3A_76 = tpu.vector_load %arg7[%parallel_loop3A_75] {strides = array<i32>} : memref<516xf32, #tpu.memory_space<vmem>>, vector<16xf32>,
        %parallel_loop3A_77 = vector.shape_cast %parallel_loop3A_76 : vector<16xf32> to vector<16xf32>
        %parallel_loop3A_78 = vector.extract_strided_slice %parallel_loop3A_77 {offsets = [0], sizes = [1], strides = [1]} : vector<16xf32> to vector<1xf32>
        %parallel_loop3A_79 = vector.extract %parallel_loop3A_78[0] : f32 from vector<1xf32>
        %parallel_loop3A_80 = vector.extract_strided_slice %parallel_loop3A_77 {offsets = [1], sizes = [1], strides = [1]} : vector<16xf32> to vector<1xf32>
        %parallel_loop3A_81 = vector.extract %parallel_loop3A_80[0] : f32 from vector<1xf32>
        %parallel_loop3A_82 = arith.constant 1536 : i32
        %parallel_loop3A_83 = arith.muli %parallel_loop3A_72, %parallel_loop3A_82 : i32
        %parallel_loop3A_84 = arith.constant 2 : i32
        %parallel_loop3A_85 = arith.muli %parallel_loop3A_64, %parallel_loop3A_84 : i32
        %parallel_loop3A_86 = arith.constant 0 : i32
        %parallel_loop3A_87 = arith.addi %parallel_loop3A_85, %parallel_loop3A_86 : i32
        %parallel_loop3A_88 = arith.constant 16 : i32
        %parallel_loop3A_89 = arith.muli %parallel_loop3A_87, %parallel_loop3A_88 : i32
        %parallel_loop3A_90 = arith.addi %parallel_loop3A_83, %parallel_loop3A_89 : i32
        %parallel_loop3A_91 = arith.index_cast %parallel_loop3A_90 : i32 to index
        %parallel_loop3A_92 = tpu.vector_load %arg8[%parallel_loop3A_91] {strides = array<i32>} : memref<6144xf32, #tpu.memory_space<vmem>>, vector<16xf32>,
        %parallel_loop3A_93 = vector.shape_cast %parallel_loop3A_92 : vector<16xf32> to vector<16xf32>
        %parallel_loop3A_94 = arith.addi %parallel_loop3A_83, %parallel_loop3A_89 : i32
        %parallel_loop3A_95 = arith.constant 512 : i32
        %parallel_loop3A_96 = arith.addi %parallel_loop3A_94, %parallel_loop3A_95 : i32
        %parallel_loop3A_97 = arith.index_cast %parallel_loop3A_96 : i32 to index
        %parallel_loop3A_98 = tpu.vector_load %arg8[%parallel_loop3A_97] {strides = array<i32>} : memref<6144xf32, #tpu.memory_space<vmem>>, vector<16xf32>,
        %parallel_loop3A_99 = vector.shape_cast %parallel_loop3A_98 : vector<16xf32> to vector<16xf32>
        %parallel_loop3A_100 = arith.addi %parallel_loop3A_83, %parallel_loop3A_89 : i32
        %parallel_loop3A_101 = arith.constant 1024 : i32
        %parallel_loop3A_102 = arith.addi %parallel_loop3A_100, %parallel_loop3A_101 : i32
        %parallel_loop3A_103 = arith.index_cast %parallel_loop3A_102 : i32 to index
        %parallel_loop3A_104 = tpu.vector_load %arg8[%parallel_loop3A_103] {strides = array<i32>} : memref<6144xf32, #tpu.memory_space<vmem>>, vector<16xf32>,
        %parallel_loop3A_105 = vector.shape_cast %parallel_loop3A_104 : vector<16xf32> to vector<16xf32>
        %parallel_loop3A_106 = vector.broadcast %parallel_loop3A_79 : f32 to vector<16xf32>
        %parallel_loop3A_107 = arith.mulf %parallel_loop3A_106, %parallel_loop3A_93 : vector<16xf32>
        %parallel_loop3A_108 = vector.broadcast %parallel_loop3A_81 : f32 to vector<16xf32>
        %parallel_loop3A_109 = arith.mulf %parallel_loop3A_108, %parallel_loop3A_99 : vector<16xf32>
        %parallel_loop3A_110 = arith.addf %parallel_loop3A_107, %parallel_loop3A_109 : vector<16xf32>
        %parallel_loop3A_111 = arith.addf %parallel_loop3A_110, %parallel_loop3A_105 : vector<16xf32>
        %parallel_loop3A_112 = arith.addf %parallel_loop3A_111, %parallel_loop3A_111 : vector<16xf32>
        %parallel_loop3A_113 = math.exp %parallel_loop3A_112 : vector<16xf32>
        %parallel_loop3A_114 = arith.constant 1.000000e+00 : f32
        %parallel_loop3A_115 = vector.broadcast %parallel_loop3A_114 : f32 to vector<16xf32>
        %parallel_loop3A_116 = arith.addf %parallel_loop3A_113, %parallel_loop3A_115 : vector<16xf32>
        %parallel_loop3A_117 = arith.constant 2.000000e+00 : f32
        %parallel_loop3A_118 = vector.broadcast %parallel_loop3A_117 : f32 to vector<16xf32>
        %parallel_loop3A_119 = arith.divf %parallel_loop3A_118, %parallel_loop3A_116 : vector<16xf32>
        %parallel_loop3A_120 = arith.constant 1.000000e+00 : f32
        %parallel_loop3A_121 = vector.broadcast %parallel_loop3A_120 : f32 to vector<16xf32>
        %parallel_loop3A_122 = arith.subf %parallel_loop3A_121, %parallel_loop3A_119 : vector<16xf32>
        %parallel_loop3A_123 = arith.index_cast %rem3A_40 : i32 to index
        %parallel_loop3A_124 = arith.index_cast %parallel_loop3A_62 : i32 to index
        %parallel_loop3A_125 = arith.index_cast %parallel_loop3A_89 : i32 to index
        %parallel_loop3A_126 = tpu.vector_load %arg9[%parallel_loop3A_123, %parallel_loop3A_124, %parallel_loop3A_125] {strides = array<i32>} : memref<2x25x512xf32, #tpu.memory_space<vmem>>, vector<1x1x16xf32>,
        %parallel_loop3A_127 = vector.shape_cast %parallel_loop3A_126 : vector<1x1x16xf32> to vector<16xf32>
        %parallel_loop3A_128 = vector.shape_cast %parallel_loop3A_122 : vector<16xf32> to vector<1x1x16xf32>
        tpu.vector_store %arg9[%parallel_loop3A_123, %parallel_loop3A_124, %parallel_loop3A_125], %parallel_loop3A_128 {strides = array<i32>} : memref<2x25x512xf32, #tpu.memory_space<vmem>>, vector<1x1x16xf32>,
        %parallel_loop3A_129 = arith.constant 2 : i32
        %parallel_loop3A_130 = arith.muli %parallel_loop3A_64, %parallel_loop3A_129 : i32
        %parallel_loop3A_131 = arith.constant 1 : i32
        %parallel_loop3A_132 = arith.addi %parallel_loop3A_130, %parallel_loop3A_131 : i32
        %parallel_loop3A_133 = arith.constant 16 : i32
        %parallel_loop3A_134 = arith.muli %parallel_loop3A_132, %parallel_loop3A_133 : i32
        %parallel_loop3A_135 = arith.addi %parallel_loop3A_83, %parallel_loop3A_134 : i32
        %parallel_loop3A_136 = arith.index_cast %parallel_loop3A_135 : i32 to index
        %parallel_loop3A_137 = tpu.vector_load %arg8[%parallel_loop3A_136] {strides = array<i32>} : memref<6144xf32, #tpu.memory_space<vmem>>, vector<16xf32>,
        %parallel_loop3A_138 = vector.shape_cast %parallel_loop3A_137 : vector<16xf32> to vector<16xf32>
        %parallel_loop3A_139 = arith.addi %parallel_loop3A_83, %parallel_loop3A_134 : i32
        %parallel_loop3A_140 = arith.constant 512 : i32
        %parallel_loop3A_141 = arith.addi %parallel_loop3A_139, %parallel_loop3A_140 : i32
        %parallel_loop3A_142 = arith.index_cast %parallel_loop3A_141 : i32 to index
        %parallel_loop3A_143 = tpu.vector_load %arg8[%parallel_loop3A_142] {strides = array<i32>} : memref<6144xf32, #tpu.memory_space<vmem>>, vector<16xf32>,
        %parallel_loop3A_144 = vector.shape_cast %parallel_loop3A_143 : vector<16xf32> to vector<16xf32>
        %parallel_loop3A_145 = arith.addi %parallel_loop3A_83, %parallel_loop3A_134 : i32
        %parallel_loop3A_146 = arith.constant 1024 : i32
        %parallel_loop3A_147 = arith.addi %parallel_loop3A_145, %parallel_loop3A_146 : i32
        %parallel_loop3A_148 = arith.index_cast %parallel_loop3A_147 : i32 to index
        %parallel_loop3A_149 = tpu.vector_load %arg8[%parallel_loop3A_148] {strides = array<i32>} : memref<6144xf32, #tpu.memory_space<vmem>>, vector<16xf32>,
        %parallel_loop3A_150 = vector.shape_cast %parallel_loop3A_149 : vector<16xf32> to vector<16xf32>
        %parallel_loop3A_151 = vector.broadcast %parallel_loop3A_79 : f32 to vector<16xf32>
        %parallel_loop3A_152 = arith.mulf %parallel_loop3A_151, %parallel_loop3A_138 : vector<16xf32>
        %parallel_loop3A_153 = vector.broadcast %parallel_loop3A_81 : f32 to vector<16xf32>
        %parallel_loop3A_154 = arith.mulf %parallel_loop3A_153, %parallel_loop3A_144 : vector<16xf32>
        %parallel_loop3A_155 = arith.addf %parallel_loop3A_152, %parallel_loop3A_154 : vector<16xf32>
        %parallel_loop3A_156 = arith.addf %parallel_loop3A_155, %parallel_loop3A_150 : vector<16xf32>
        %parallel_loop3A_157 = arith.addf %parallel_loop3A_156, %parallel_loop3A_156 : vector<16xf32>
        %parallel_loop3A_158 = math.exp %parallel_loop3A_157 : vector<16xf32>
        %parallel_loop3A_159 = arith.constant 1.000000e+00 : f32
        %parallel_loop3A_160 = vector.broadcast %parallel_loop3A_159 : f32 to vector<16xf32>
        %parallel_loop3A_161 = arith.addf %parallel_loop3A_158, %parallel_loop3A_160 : vector<16xf32>
        %parallel_loop3A_162 = arith.constant 2.000000e+00 : f32
        %parallel_loop3A_163 = vector.broadcast %parallel_loop3A_162 : f32 to vector<16xf32>
        %parallel_loop3A_164 = arith.divf %parallel_loop3A_163, %parallel_loop3A_161 : vector<16xf32>
        %parallel_loop3A_165 = arith.constant 1.000000e+00 : f32
        %parallel_loop3A_166 = vector.broadcast %parallel_loop3A_165 : f32 to vector<16xf32>
        %parallel_loop3A_167 = arith.subf %parallel_loop3A_166, %parallel_loop3A_164 : vector<16xf32>
        %parallel_loop3A_168 = arith.index_cast %rem3A_40 : i32 to index
        %parallel_loop3A_169 = arith.index_cast %parallel_loop3A_62 : i32 to index
        %parallel_loop3A_170 = arith.index_cast %parallel_loop3A_134 : i32 to index
        %parallel_loop3A_171 = tpu.vector_load %arg9[%parallel_loop3A_168, %parallel_loop3A_169, %parallel_loop3A_170] {strides = array<i32>} : memref<2x25x512xf32, #tpu.memory_space<vmem>>, vector<1x1x16xf32>,
        %parallel_loop3A_172 = vector.shape_cast %parallel_loop3A_171 : vector<1x1x16xf32> to vector<16xf32>
        %parallel_loop3A_173 = vector.shape_cast %parallel_loop3A_167 : vector<16xf32> to vector<1x1x16xf32>
        tpu.vector_store %arg9[%parallel_loop3A_168, %parallel_loop3A_169, %parallel_loop3A_170], %parallel_loop3A_173 {strides = array<i32>} : memref<2x25x512xf32, #tpu.memory_space<vmem>>, vector<1x1x16xf32>,
      } {sc.loop_unroll_factor = 4 : i64, sc.parallel_access}
      %mul3A_45 = arith.constant 25 : i32
      %mul3A_46 = arith.muli %scan3A_38, %mul3A_45 : i32
      %add3A_47 = arith.addi %mul3A_2, %mul3A_46 : i32
      %dma_start3A = arith.constant 0 : i32
      %dma_start3A_48 = arith.constant 0 : i32
      %dma_start3A_49 = tpu.memref_slice %arg9[%rem3A_40, %dma_start3A, %dma_start3A_48] : memref<2x25x512xf32, #tpu.memory_space<vmem>> -> memref<1x25x512xf32, #tpu.memory_space<vmem>>
      %dma_start3A_50 = tpu.memref_squeeze %dma_start3A_49 : memref<1x25x512xf32, #tpu.memory_space<vmem>> -> memref<25x512xf32, #tpu.memory_space<vmem>>
      %dma_start3A_51 = arith.constant 0 : i32
      %dma_start3A_52 = tpu.memref_slice %arg5[%add3A_47, %dma_start3A_51] : memref<8000x512xf32, #tpu.memory_space<hbm>> -> memref<25x512xf32, #tpu.memory_space<hbm>>
      %dma_start3A_53 = arith.constant 0 : i32
      %dma_start3A_54 = tpu.memref_slice %arg5[%add3A_47, %dma_start3A_53] : memref<8000x512xf32, #tpu.memory_space<hbm>> -> memref<25x512xf32, #tpu.memory_space<hbm>>
      %dma_start3A_55 = arith.constant 0 : i32
      %dma_start3A_56 = arith.constant 0 : i32
      %dma_start3A_57 = tpu.memref_slice %arg9[%rem3A_40, %dma_start3A_55, %dma_start3A_56] : memref<2x25x512xf32, #tpu.memory_space<vmem>> -> memref<1x25x512xf32, #tpu.memory_space<vmem>>
      %dma_start3A_58 = tpu.memref_squeeze %dma_start3A_57 : memref<1x25x512xf32, #tpu.memory_space<vmem>> -> memref<25x512xf32, #tpu.memory_space<vmem>>
      tpu.enqueue_dma source(%dma_start3A_58 : memref<25x512xf32, #tpu.memory_space<vmem>>) target(%dma_start3A_54 : memref<25x512xf32, #tpu.memory_space<hbm>>) target_semaphore(%arg10 : memref<!tpu.dma_semaphore, #tpu.memory_space<semaphore_mem>>)
      %scan3A_59 = arith.constant 0 : i32
      scf.yield %scan3A_59 : i32
    }
    %scan3A_8 = arith.constant 10 : i32
    %dma_wait3A = arith.constant 0 : i32
    %dma_wait3A_9 = arith.constant 0 : i32
    %dma_wait3A_10 = arith.constant 0 : i32
    %dma_wait3A_11 = tpu.memref_slice %arg9[%dma_wait3A, %dma_wait3A_9, %dma_wait3A_10] : memref<2x25x512xf32, #tpu.memory_space<vmem>> -> memref<1x25x512xf32, #tpu.memory_space<vmem>>
    %dma_wait3A_12 = tpu.memref_squeeze %dma_wait3A_11 : memref<1x25x512xf32, #tpu.memory_space<vmem>> -> memref<25x512xf32, #tpu.memory_space<vmem>>
    %dma_wait3A_13 = arith.constant 0 : i32
    %dma_wait3A_14 = arith.constant 0 : i32
    %dma_wait3A_15 = tpu.memref_slice %arg5[%dma_wait3A_13, %dma_wait3A_14] : memref<8000x512xf32, #tpu.memory_space<hbm>> -> memref<25x512xf32, #tpu.memory_space<hbm>>
    %dma_wait3A_16 = arith.constant 0 : i32
    %dma_wait3A_17 = arith.constant 0 : i32
    %dma_wait3A_18 = tpu.memref_slice %arg9[%dma_wait3A, %dma_wait3A_16, %dma_wait3A_17] : memref<2x25x512xf32, #tpu.memory_space<vmem>> -> memref<1x25x512xf32, #tpu.memory_space<vmem>>
    %dma_wait3A_19 = tpu.memref_squeeze %dma_wait3A_18 : memref<1x25x512xf32, #tpu.memory_space<vmem>> -> memref<25x512xf32, #tpu.memory_space<vmem>>
    %dma_wait3A_20 = arith.constant 0 : i32
    %dma_wait3A_21 = arith.constant 0 : i32
    %dma_wait3A_22 = tpu.memref_slice %arg5[%dma_wait3A_20, %dma_wait3A_21] : memref<8000x512xf32, #tpu.memory_space<hbm>> -> memref<25x512xf32, #tpu.memory_space<hbm>>
    tpu.wait_dma2 semaphore(%arg10 : memref<!tpu.dma_semaphore, #tpu.memory_space<semaphore_mem>>) src(%dma_wait3A_22 : memref<25x512xf32, #tpu.memory_space<hbm>>) dst(%dma_wait3A_19 : memref<25x512xf32, #tpu.memory_space<vmem>>)
    %dma_wait3A_23 = arith.constant 0 : i32
    %dma_wait3A_24 = arith.constant 0 : i32
    %dma_wait3A_25 = arith.constant 0 : i32
    %dma_wait3A_26 = tpu.memref_slice %arg9[%dma_wait3A_23, %dma_wait3A_24, %dma_wait3A_25] : memref<2x25x512xf32, #tpu.memory_space<vmem>> -> memref<1x25x512xf32, #tpu.memory_space<vmem>>
    %dma_wait3A_27 = tpu.memref_squeeze %dma_wait3A_26 : memref<1x25x512xf32, #tpu.memory_space<vmem>> -> memref<25x512xf32, #tpu.memory_space<vmem>>
    %dma_wait3A_28 = arith.constant 0 : i32
    %dma_wait3A_29 = arith.constant 0 : i32
    %dma_wait3A_30 = tpu.memref_slice %arg5[%dma_wait3A_28, %dma_wait3A_29] : memref<8000x512xf32, #tpu.memory_space<hbm>> -> memref<25x512xf32, #tpu.memory_space<hbm>>
    %dma_wait3A_31 = arith.constant 0 : i32
    %dma_wait3A_32 = arith.constant 0 : i32
    %dma_wait3A_33 = tpu.memref_slice %arg9[%dma_wait3A_23, %dma_wait3A_31, %dma_wait3A_32] : memref<2x25x512xf32, #tpu.memory_space<vmem>> -> memref<1x25x512xf32, #tpu.memory_space<vmem>>
    %dma_wait3A_34 = tpu.memref_squeeze %dma_wait3A_33 : memref<1x25x512xf32, #tpu.memory_space<vmem>> -> memref<25x512xf32, #tpu.memory_space<vmem>>
    %dma_wait3A_35 = arith.constant 0 : i32
    %dma_wait3A_36 = arith.constant 0 : i32
    %dma_wait3A_37 = tpu.memref_slice %arg5[%dma_wait3A_35, %dma_wait3A_36] : memref<8000x512xf32, #tpu.memory_space<hbm>> -> memref<25x512xf32, #tpu.memory_space<hbm>>
    tpu.wait_dma2 semaphore(%arg10 : memref<!tpu.dma_semaphore, #tpu.memory_space<semaphore_mem>>) src(%dma_wait3A_37 : memref<25x512xf32, #tpu.memory_space<hbm>>) dst(%dma_wait3A_34 : memref<25x512xf32, #tpu.memory_space<vmem>>)
    return
  }
}

module attributes {stable_mosaic.version = 14 : i64} {
  func.func @_tc_body(%arg0: i32, %arg1: memref<2000x512xf32, #tpu.memory_space<vmem>>, %arg2: memref<2000x2xf32, #tpu.memory_space<vmem>>, %arg3: memref<2000x1xi32, #tpu.memory_space<vmem>>, %arg4: memref<9x512xf32, #tpu.memory_space<vmem>>, %arg5: memref<2000x512xf32, #tpu.memory_space<vmem>>) attributes {dimension_semantics = [#tpu.dimension_semantics<parallel>], iteration_bounds = array<i64: 50>, scalar_prefetch = 0 : i64, scratch_operands = 0 : i64, tpu.core_type = #tpu.core_type<tc>, window_params = [{transform_indices = @transform_0, window_bounds = array<i64: 2000, 512>}, {transform_indices = @transform_1, window_bounds = array<i64: 2000, 2>}, {transform_indices = @transform_2, window_bounds = array<i64: 2000, 1>}, {pipeline_mode = #tpu.pipeline_mode<synchronous>, transform_indices = @transform_3, window_bounds = array<i64: 9, 512>}, {transform_indices = @transform_4, window_bounds = array<i64: 2000, 512>}]} {
    %lt3A = arith.constant 4 : i32
    %lt3A_0 = arith.cmpi slt, %arg0, %lt3A : i32
    %convert_element_type3A = arith.extui %lt3A_0 : i1 to i32
    %cond3A = arith.constant 0 : i32
    %cond3A_1 = arith.cmpi ne, %convert_element_type3A, %cond3A : i32
    scf.if %cond3A_1 {
      %get3A = arith.constant 0 : index
      %get3A_6 = arith.constant 0 : index
      %get3A_7 = vector.load %arg1[%get3A, %get3A_6] : memref<2000x512xf32, #tpu.memory_space<vmem>>, vector<2000x512xf32>
      %swap3A = arith.constant 0 : index
      %swap3A_8 = arith.constant 0 : index
      %swap3A_9 = vector.load %arg5[%swap3A, %swap3A_8] : memref<2000x512xf32, #tpu.memory_space<vmem>>, vector<2000x512xf32>
      tpu.vector_store %arg5[%swap3A, %swap3A_8], %get3A_7 {strides = array<i32>} : memref<2000x512xf32, #tpu.memory_space<vmem>>, vector<2000x512xf32>,
    } else {
    }
    %ge3A = arith.constant 4 : i32
    %ge3A_2 = arith.cmpi sge, %arg0, %ge3A : i32
    %convert_element_type3A_3 = arith.extui %ge3A_2 : i1 to i32
    %cond3A_4 = arith.constant 0 : i32
    %cond3A_5 = arith.cmpi ne, %convert_element_type3A_3, %cond3A_4 : i32
    scf.if %cond3A_5 {
      %get3A = arith.constant 0 : index
      %get3A_6 = arith.constant 0 : index
      %get3A_7 = vector.load %arg2[%get3A, %get3A_6] : memref<2000x2xf32, #tpu.memory_space<vmem>>, vector<2000x2xf32>
      %get3A_8 = arith.constant 0 : index
      %get3A_9 = arith.constant 0 : index
      %get3A_10 = vector.load %arg3[%get3A_8, %get3A_9] : memref<2000x1xi32, #tpu.memory_space<vmem>>, vector<2000x1xi32>
      %slice3A = vector.extract_strided_slice %get3A_7 {offsets = [0, 0], sizes = [2000, 1], strides = [1, 1]} : vector<2000x2xf32> to vector<2000x1xf32>
      %slice3A_11 = vector.extract_strided_slice %get3A_7 {offsets = [0, 1], sizes = [2000, 1], strides = [1, 1]} : vector<2000x2xf32> to vector<2000x1xf32>
      %iota3A = tpu.iota {dimensions = array<i32: 1>} : vector<2000x9xi32>
      %jit3A = arith.constant 3 : i32
      %div3A = vector.broadcast %jit3A : i32 to vector<2000x9xi32>
      %div3A_12 = arith.divsi %iota3A, %div3A : vector<2000x9xi32>
      %sign3A = arith.constant 0 : i32
      %sign3A_13 = vector.broadcast %sign3A : i32 to vector<2000x9xi32>
      %sign3A_14 = arith.cmpi sgt, %iota3A, %sign3A_13 : vector<2000x9xi32>
      %sign3A_15 = arith.extui %sign3A_14 : vector<2000x9xi1> to vector<2000x9xi32>
      %sign3A_16 = arith.constant 0 : i32
      %sign3A_17 = vector.broadcast %sign3A_16 : i32 to vector<2000x9xi32>
      %sign3A_18 = arith.cmpi slt, %iota3A, %sign3A_17 : vector<2000x9xi32>
      %sign3A_19 = arith.extui %sign3A_18 : vector<2000x9xi1> to vector<2000x9xi32>
      %sign3A_20 = arith.subi %sign3A_15, %sign3A_19 : vector<2000x9xi32>
      %sign3A_21 = arith.constant 0 : i32
      %sign3A_22 = arith.cmpi sgt, %jit3A, %sign3A_21 : i32
      %sign3A_23 = arith.extui %sign3A_22 : i1 to i32
      %sign3A_24 = arith.constant 0 : i32
      %sign3A_25 = arith.cmpi slt, %jit3A, %sign3A_24 : i32
      %sign3A_26 = arith.extui %sign3A_25 : i1 to i32
      %sign3A_27 = arith.subi %sign3A_23, %sign3A_26 : i32
      %ne3A = vector.broadcast %sign3A_27 : i32 to vector<2000x9xi32>
      %ne3A_28 = arith.cmpi ne, %sign3A_20, %ne3A : vector<2000x9xi32>
      %rem3A = vector.broadcast %jit3A : i32 to vector<2000x9xi32>
      %rem3A_29 = arith.remsi %iota3A, %rem3A : vector<2000x9xi32>
      %ne3A_30 = arith.constant 0 : i32
      %ne3A_31 = vector.broadcast %ne3A_30 : i32 to vector<2000x9xi32>
      %ne3A_32 = arith.cmpi ne, %rem3A_29, %ne3A_31 : vector<2000x9xi32>
      %and3A = arith.andi %ne3A_28, %ne3A_32 : vector<2000x9xi1>
      %sub3A = arith.constant 1 : i32
      %sub3A_33 = vector.broadcast %sub3A : i32 to vector<2000x9xi32>
      %sub3A_34 = arith.subi %div3A_12, %sub3A_33 : vector<2000x9xi32>
      %select_n3A = arith.select %and3A, %sub3A_34, %div3A_12 : vector<2000x9xi1>, vector<2000x9xi32>
      %add3A = arith.constant 1 : i32
      %add3A_35 = vector.broadcast %add3A : i32 to vector<2000x9xi32>
      %add3A_36 = arith.addi %select_n3A, %add3A_35 : vector<2000x9xi32>
      %jit3A_37 = arith.constant 3 : i32
      %eq3A = arith.constant 0 : i32
      %eq3A_38 = arith.cmpi eq, %jit3A_37, %eq3A : i32
      %jit3A_39 = arith.constant 1 : i32
      %select_n3A_40 = arith.select %eq3A_38, %jit3A_39, %jit3A_37 : i32
      %rem3A_41 = vector.broadcast %select_n3A_40 : i32 to vector<2000x9xi32>
      %rem3A_42 = arith.remsi %iota3A, %rem3A_41 : vector<2000x9xi32>
      %ne3A_43 = arith.constant 0 : i32
      %ne3A_44 = vector.broadcast %ne3A_43 : i32 to vector<2000x9xi32>
      %ne3A_45 = arith.cmpi ne, %rem3A_42, %ne3A_44 : vector<2000x9xi32>
      %lt3A_46 = arith.constant 0 : i32
      %lt3A_47 = vector.broadcast %lt3A_46 : i32 to vector<2000x9xi32>
      %lt3A_48 = arith.cmpi slt, %rem3A_42, %lt3A_47 : vector<2000x9xi32>
      %lt3A_49 = arith.constant 0 : i32
      %lt3A_50 = arith.cmpi slt, %select_n3A_40, %lt3A_49 : i32
      %ne3A_51 = vector.broadcast %lt3A_50 : i1 to vector<2000x9xi1>
      %ne3A_52 = vector.broadcast %ne3A_51 : vector<2000x9xi1> to vector<2000x9xi1>
      %ne3A_53 = arith.xori %lt3A_48, %ne3A_52 : vector<2000x9xi1>
      %and3A_54 = arith.andi %ne3A_53, %ne3A_45 : vector<2000x9xi1>
      %add3A_55 = vector.broadcast %select_n3A_40 : i32 to vector<2000x9xi32>
      %add3A_56 = arith.addi %rem3A_42, %add3A_55 : vector<2000x9xi32>
      %select_n3A_57 = arith.select %and3A_54, %add3A_56, %rem3A_42 : vector<2000x9xi1>, vector<2000x9xi32>
      %eq3A_58 = arith.constant 0 : i32
      %eq3A_59 = vector.broadcast %eq3A_58 : i32 to vector<2000x9xi32>
      %eq3A_60 = arith.cmpi eq, %select_n3A_57, %eq3A_59 : vector<2000x9xi32>
      %eq3A_61 = arith.constant 1 : i32
      %eq3A_62 = vector.broadcast %eq3A_61 : i32 to vector<2000x9xi32>
      %eq3A_63 = arith.cmpi eq, %select_n3A_57, %eq3A_62 : vector<2000x9xi32>
      %jit3A_64 = arith.constant 1.000000e+00 : f32
      %broadcast_in_dim3A = vector.shape_cast %slice3A_11 : vector<2000x1xf32> to vector<2000x1xf32>
      %broadcast_in_dim3A_65 = vector.broadcast %broadcast_in_dim3A : vector<2000x1xf32> to vector<2000x9xf32>
      %broadcast_in_dim3A_66 = vector.broadcast %jit3A_64 : f32 to vector<2000x9xf32>
      %select_n3A_67 = arith.select %eq3A_63, %broadcast_in_dim3A_65, %broadcast_in_dim3A_66 : vector<2000x9xi1>, vector<2000x9xf32>
      %broadcast_in_dim3A_68 = vector.shape_cast %slice3A : vector<2000x1xf32> to vector<2000x1xf32>
      %broadcast_in_dim3A_69 = vector.broadcast %broadcast_in_dim3A_68 : vector<2000x1xf32> to vector<2000x9xf32>
      %select_n3A_70 = arith.select %eq3A_60, %broadcast_in_dim3A_69, %select_n3A_67 : vector<2000x9xi1>, vector<2000x9xf32>
      %eq3A_71 = vector.broadcast %get3A_10 : vector<2000x1xi32> to vector<2000x9xi32>
      %eq3A_72 = arith.cmpi eq, %eq3A_71, %add3A_36 : vector<2000x9xi32>
      %jit3A_73 = arith.constant 0.000000e+00 : f32
      %broadcast_in_dim3A_74 = vector.broadcast %jit3A_73 : f32 to vector<2000x9xf32>
      %select_n3A_75 = arith.select %eq3A_72, %select_n3A_70, %broadcast_in_dim3A_74 : vector<2000x9xi1>, vector<2000x9xf32>
      %get3A_76 = arith.constant 0 : index
      %get3A_77 = arith.constant 0 : index
      %get3A_78 = vector.load %arg4[%get3A_76, %get3A_77] : memref<9x512xf32, #tpu.memory_space<vmem>>, vector<9x512xf32>
      %dot_general3A = arith.constant dense<0.000000e+00> : vector<2000x512xf32>
      %dot_general3A_79 = tpu.matmul %select_n3A_75, %get3A_78, %dot_general3A {dimension_numbers = #tpu.dot_dimension_numbers<[1], [0], [0], [1], [0, 0, 1, 1], [], []>, transpose_lhs_hint = false} : vector<2000x9xf32>, vector<9x512xf32>, vector<2000x512xf32> -> vector<2000x512xf32>
      %tanh3A = math.tanh %dot_general3A_79 : vector<2000x512xf32>
      %swap3A = arith.constant 0 : index
      %swap3A_80 = arith.constant 0 : index
      %swap3A_81 = vector.load %arg5[%swap3A, %swap3A_80] : memref<2000x512xf32, #tpu.memory_space<vmem>>, vector<2000x512xf32>
      tpu.vector_store %arg5[%swap3A, %swap3A_80], %tanh3A {strides = array<i32>} : memref<2000x512xf32, #tpu.memory_space<vmem>>, vector<2000x512xf32>,
    } else {
    }
    return
  }
  func.func @transform_0(%arg0: i32) -> (i32, i32) {
    %min3A = arith.constant 3 : i32
    %min3A_0 = arith.minsi %arg0, %min3A : i32
    %c0_i32 = arith.constant 0 : i32
    %c0_i32_1 = arith.constant 0 : i32
    return %min3A_0, %c0_i32 : i32, i32
  }
  func.func @transform_1(%arg0: i32) -> (i32, i32) {
    %c0_i32 = arith.constant 0 : i32
    %c0_i32_0 = arith.constant 0 : i32
    return %arg0, %c0_i32 : i32, i32
  }
  func.func @transform_2(%arg0: i32) -> (i32, i32) {
    %c0_i32 = arith.constant 0 : i32
    %c0_i32_0 = arith.constant 0 : i32
    return %arg0, %c0_i32 : i32, i32
  }
  func.func @transform_3(%arg0: i32) -> (i32, i32) {
    %c0_i32 = arith.constant 0 : i32
    %c0_i32_0 = arith.constant 0 : i32
    %c0_i32_1 = arith.constant 0 : i32
    return %c0_i32, %c0_i32_0 : i32, i32
  }
  func.func @transform_4(%arg0: i32) -> (i32, i32) {
    %c0_i32 = arith.constant 0 : i32
    %c0_i32_0 = arith.constant 0 : i32
    return %arg0, %c0_i32 : i32, i32
  }
}

</mosaic_0001>

<sc_bundles>
// kernel: kernel.4.cloned.1.call-start
scs
__scs_entry_jumppad:
0x0: {  	(pc) =	sbr.rel $0x88, $3  }
0x1: {  	(tag) =	ssettag $0x0;
	lr =	simm.s32 $0x1  }
0x2: {  	[smem:$0x3F99] =	sst lr;
	_ =	strace $0xD0000000  }
0x3: {  	_ = 	snop  }
0x4: {  	_ = 	snop  }
0x5: {  	_ = 	snop  }
0x6: {  	_ = 	snop  }
0x7: {  	_ = 	snop  }
__scs_overlays_trampoline_lowered:
0x8: {  	[smem:$0x3FA8] =	sst s0  }
0x9: {  	[smem:$0x3FA9] =	sst s1  }
0xa: {  	[smem:$0x3FAA] =	sst s2  }
0xb: {  	[smem:$0x3FAB] =	sst s3  }
0xc: {  	[smem:$0x3FAC] =	sst s4  }
0xd: {  	[smem:$0x3FAD] =	sst s5  }
0xe: {  	[smem:$0x3FAE] =	sst s6  }
0xf: {  	[smem:$0x3FAF] =	sst s7  }
0x10: {  	[smem:$0x3FB0] =	sst s8  }
0x11: {  	[smem:$0x3FB1] =	sst s9;
	s0 =	simm.s32 @!p0 $0x0  }
0x12: {  	s1 =	sld [smem:$0x3F97];
	s0 =	simm.s32 @p0 $0x1  }
0x13: {  	[smem:$0x3FB2] =	sst s0;
	s0 =	simm.s32 @!p1 $0x0  }
0x14: {  	s2 =	sld [smem:$0x3F96];
	s0 =	simm.s32 @p1 $0x1  }
0x15: {  	[smem:$0x3FB3] =	sst s0;
	s0 =	simm.s32 @!p2 $0x0  }
0x16: {  	s3 =	sld [smem:$0x3FDB];
	s0 =	simm.s32 @p2 $0x1  }
0x17: {  	s4 =	simm.s32 $0x1BF5;
	[smem:$0x3FB5] =	sst s0  }
0x18: {  	s0 =	sld [smem:$0x3F98];
	_ =	swait.ge [sflag:s4], $0x0  }
0x19: {  	s7 =	sld [smem:$0x3F99]  }
0x1a: {  	s8 =	sadd.s32 $0xFFFFE003, lr  }
0x1b: {  	s9 =	sadd.s32 $0xFFFFFEF7, lr;
	s5 =	simm.s32 $0xFFFFFFFF;
	p2 =	slt.u32 s8, $0xFFFFF086  }
0x1c: {  	p1 =	slt.u32 s9, $0xF7A;
	s5 =	simm.s32 @!p2 $0x0  }
0x1d: {  	s5 =	simm.s32 @p1 $0x1;
	p0 =	seq.s32 s7, s2  }
0x1e: {  	s7 =	smul.u32 @!p0 $0xF7A, s2;
	p2 =	seq.s32 @!p0 s5, $0x0  }
0x1f: {  	s9 =	smul.u32 $0xF7A, s1;
	s8 =	simm.s32 @!p0 $0x1BF5;
	p2 =	por !p2, p0  }
0x20: {  	[sflag:s8] =	ssyncset.s32 @!p0 $0xFFFFF086;
	s6 =	sadd.s32 @!p0 s3, s7;
	s7 =	simm.s32 @!p0 $0x108  }
0x21: {  	s3 =	sadd.s32 s3, s9;
	s6 =	sadd.s32 @!p0 $0x88, s6;
	s7 =	simm.s32 @p2 $0x1082  }
0x22: {  	[simem:s7], [sflag:s8] =	dma.local @!p0 [hbm:s6], $0xF7A  }
0x23: {  	s9 =	sor.u32 $0xD0000000, s2;
	s6 =	simm.s32 $0x108;
	_ =	swait.ge @!p0 [sflag:s8], $0x0  }
0x24: {  	s3 =	sadd.s32 $0x88, s3;
	s6 =	simm.s32 @!p1 $0x1082;
	[sflag:s4] =	ssyncset.s32 $0xFFFFF086  }
0x25: {  	[simem:s6], [sflag:s4] =	dma.local [hbm:s3], $0xF7A  }
0x26: {  	[smem:$0x3F99] =	sst s1;
	(tag) =	ssettag s2;
	_ =	strace s9  }
0x27: {  	s1 =	sld [smem:$0x3FA9]  }
0x28: {  	s2 =	sld [smem:$0x3FAA]  }
0x29: {  	s4 =	sld [smem:$0x3FAC]  }
0x2a: {  	p0 =	seq.s32 s5, $0x0;
	s5 =	sld [smem:$0x3FAD]  }
0x2b: {  	s6 =	sld [smem:$0x3FAE]  }
0x2c: {  	s7 =	sld [smem:$0x3FAF]  }
0x2d: {  	s3 =	simm.s32 $0x108;
	s8 =	sld [smem:$0x3FB0]  }
0x2e: {  	s3 =	simm.s32 @!p0 $0x1082;
	s9 =	sld [smem:$0x3FB1]  }
0x2f: {  	lr =	sadd.s32 s0, s3;
	s0 =	sld [smem:$0x3FA8]  }
0x30: {  	s3 =	sld [smem:$0x3FAB]  }
0x31: {  	[smem:$0x3FB4] =	sst s10  }
0x32: {  	s10 =	sld [smem:$0x3FB2];
	_ =	sdelay $0x3  }
0x33: {  	p0 =	seq.s32 s10, $0x1;
	s10 =	sld [smem:$0x3FB4];
	_ =	sdelay $0x3  }
0x34: {  	[smem:$0x3FB4] =	sst s10  }
0x35: {  	s10 =	sld [smem:$0x3FB3];
	_ =	sdelay $0x3  }
0x36: {  	p1 =	seq.s32 s10, $0x1;
	s10 =	sld [smem:$0x3FB4];
	_ =	sdelay $0x3  }
0x37: {  	[smem:$0x3FB4] =	sst s10  }
0x38: {  	s10 =	sld [smem:$0x3FB5]  }
0x39: {  	_ = 	snop;
	(pc) =	sbr.ind lr, $3  }
0x3a: {  	_ = 	snop  }
0x3b: {  	_ = 	snop  }
0x3c: {  	p2 =	seq.s32 s10, $0x1;
	s10 =	sld [smem:$0x3FB4]  }
0x3d: {  	_ =	shalt  }
0x3e: {  	_ =	shalt  }
0x3f: {  	_ =	shalt  }
0x40: {  	_ =	shalt  }
0x41: {  	_ =	shalt  }
0x42: {  	_ =	shalt  }
0x43: {  	_ =	shalt  }
0x44: {  	_ =	shalt  }
0x45: {  	_ =	shalt  }
0x46: {  	_ =	shalt  }
0x47: {  	_ =	shalt  }
0x48: {  	_ =	shalt  }
0x49: {  	_ =	shalt  }
0x4a: {  	_ =	shalt  }
0x4b: {  	_ =	shalt  }
0x4c: {  	_ =	shalt  }
0x4d: {  	_ =	shalt  }
0x4e: {  	_ =	shalt  }
0x4f: {  	_ =	shalt  }
0x50: {  	_ =	shalt  }
0x51: {  	_ =	shalt  }
0x52: {  	_ =	shalt  }
0x53: {  	_ =	shalt  }
0x54: {  	_ =	shalt  }
0x55: {  	_ =	shalt  }
0x56: {  	_ =	shalt  }
0x57: {  	_ =	shalt  }
0x58: {  	_ =	shalt  }
0x59: {  	_ =	shalt  }
0x5a: {  	_ =	shalt  }
0x5b: {  	_ =	shalt  }
0x5c: {  	_ =	shalt  }
0x5d: {  	_ =	shalt  }
0x5e: {  	_ =	shalt  }
0x5f: {  	_ =	shalt  }
0x60: {  	_ =	shalt  }
0x61: {  	_ =	shalt  }
0x62: {  	_ =	shalt  }
0x63: {  	_ =	shalt  }
0x64: {  	_ =	shalt  }
0x65: {  	_ =	shalt  }
0x66: {  	_ =	shalt  }
0x67: {  	_ =	shalt  }
0x68: {  	_ =	shalt  }
0x69: {  	_ =	shalt  }
0x6a: {  	_ =	shalt  }
0x6b: {  	_ =	shalt  }
0x6c: {  	_ =	shalt  }
0x6d: {  	_ =	shalt  }
0x6e: {  	_ =	shalt  }
0x6f: {  	_ =	shalt  }
0x70: {  	_ =	shalt  }
0x71: {  	_ =	shalt  }
0x72: {  	_ =	shalt  }
0x73: {  	_ =	shalt  }
0x74: {  	_ =	shalt  }
0x75: {  	_ =	shalt  }
0x76: {  	_ =	shalt  }
0x77: {  	_ =	shalt  }
0x78: {  	_ =	shalt  }
0x79: {  	_ =	shalt  }
0x7a: {  	_ =	shalt  }
0x7b: {  	_ =	shalt  }
0x7c: {  	_ =	shalt  }
0x7d: {  	_ =	shalt  }
0x7e: {  	_ =	shalt  }
0x7f: {  	_ =	shalt  }
0x80: {  	_ =	shalt  }
0x81: {  	_ =	shalt  }
0x82: {  	_ =	shalt  }
0x83: {  	_ =	shalt  }
0x84: {  	_ =	shalt  }
0x85: {  	_ =	shalt  }
0x86: {  	_ =	shalt  }
0x87: {  	_ =	shalt  }
.Lfunc_end0:
.L_simem_size_0:
called_computation_lowered:
.L_overlay_start_0:
0x88: {  	s2 =	sld [smem:$0x3FD9]  }
0x89: {  	s3 =	sld [smem:$0x3FFE];
	_ =	sdelay $0x1  }
0x8a: {  	s1 =	srdreg.scid  }
0x8b: {  	s0 =	sand.u32 $0x1, s1  }
0x8c: {  	s17 =	sshll.u32 s0, $0xA;
	s2 =	sadd.s32 s3, s2  }
0x8d: {  	s2 =	sadd.s32 s2, s17  }
0x8e: {  	[smem:$0x3FC0] =	sst s2  }
0x8f: {  	_ = 	snop  }
0x90: {  	s2 =	sld [smem:$0x3FD0];
	(tm) =	ssettm $0x1  }
0x91: {  	s18 =	sld [smem:$0x3FFB];
	_ =	sdelay $0x3  }
0x92: {  	_ =	strace s18  }
0x93: {  	s3 =	sld [smem:$0x3FFC];
	_ =	sdelay $0x3  }
0x94: {  	_ =	strace s3  }
0x95: {  	s3 =	sld [smem:$0x3FFD];
	_ =	sdelay $0x3  }
0x96: {  	_ =	strace s3  }
0x97: {  	_ =	strace $0x8FFFFFFF  }
0x98: {  	s19 =	sld [smem:$0x3FDB];
	_ =	sdelay $0x1  }
0x99: {  	s4 =	simm.s32 $_scs_section_size  }
0x9a: {  	s5 =	simm.s32 $_size__tile_overlayer_lowered;
	s6 =	simm.s32 $_tile_overlayer_lowered  }
0x9b: {  	s22 =	simm.s32 $0x1BFF;
	s21 =	sshll.u32 s6, $0x1;
	s3 =	sadd.s32 s4, s19  }
0x9c: {  	s7 =	simm.s32 $0x0;
	s20 =	sshll.u32 s5, $0x1;
	s5 =	sadd.s32 s21, s3  }
0x9d: {  	[timem:s7], [sflag:s22] =	dma.local [hbm:s5], s20  }
0x9e: {  	_ =	swait.ge [sflag:s22], s20  }
0x9f: {  	s4 =	ssub.s32 $0x0, s20;
	[sflag:s22] =	ssyncset.done $0x0  }
0xa0: {  	[sflag:s22] =	ssyncadd.s32 s4;
	_ =	sdelay $0x1  }
0xa1: {  	s23 =	simm.s32 $0x1B8B  }
0xa2: {  	_ =	swait.ge [sflag:s23], $0x1  }
0xa3: {  	[sflag:s23] =	ssyncset.done $0x0  }
0xa4: {  	s25 =	simm.s32 $0x1B8E;
	s24 =	sld [smem:$0x3FFE];
	[sflag:s23] =	ssyncadd.s32 $0xFFFFFFFF  }
0xa5: {  	s26 =	simm.s32 $execute0_lowered;
	[smem:$0x3FD2] =	sst s25  }
0xa6: {  	s5 =	sshll.u32 s26, $0x1;
	_ =	strace $0x80000046;
	[dreg:$0x1] =	wrdreg $0xFFFFFFFF  }
0xa7: {  	s28 =	simm.s32 $_size_execute0_lowered;
	s3 =	sadd.s32 s3, s5;
	[dreg:$0x0] =	wrdreg $0x0  }
0xa8: {  	s5 =	sshll.u32 s28, $0x1;
	[dreg:$0x2] =	wrdreg s3  }
0xa9: {  	[dreg:$0x3] =	wrdreg s5  }
0xaa: {  	[dreg:$0x4] =	wrdreg $0xC0  }
0xab: {  	_ =	task [dreg:s7], $0x5FFFF  }
0xac: {  	[dreg:$0x1] =	wrdreg $0xFFFFFFFF  }
0xad: {  	[dreg:$0x0] =	wrdreg $0x60  }
0xae: {  	[dreg:$0x2] =	wrdreg s24  }
0xaf: {  	[dreg:$0x3] =	wrdreg s2  }
0xb0: {  	[dreg:$0x4] =	wrdreg $0x9  }
0xb1: {  	_ =	task.clear_ibuf [dreg:s7], $0x5FFFF;
	_ =	strace $0x90000046  }
0xb2: {  	s29 =	simm.s32 $0x9;
	_ =	strace $0x80000048  }
0xb3: {  	_ =	swait.ge [sflag:s29], $0x1  }
0xb4: {  	[sflag:s29] =	ssyncadd.s32 $0xFFFFFFFF  }
0xb5: {  	_ =	strace $0x90000048  }
0xb6: {  	_ =	sfence  }
0xb7: {  	s30 =	sld [smem:$0x0];
	_ =	sdelay $0x2  }
0xb8: {  	s31 =	sshll.u32 s1, $0xD;
	s1 =	sshrl.u32 s1, $0x2  }
0xb9: {  	s3 =	sand.u32 $0x4000, s31;
	s1 =	sadd.s32 s1, s30  }
0xba: {  	s0 =	sor.u32 s3, s0;
	s1 =	sshll.u32 s1, $0x11  }
0xbb: {  	s0 =	sor.u32 s1, s0  }
0xbc: {  	s0 =	sadd.s32 $0x8F2B, s0  }
0xbd: {  	[sflag:s0] =	ssyncadd.remote.s32 $0x1  }
0xbe: {  	_ =	sfence.sel $0xFFFF  }
0xbf: {  	[dreg:$0x0] =	wrdreg $0xFFFFFFFF;
	(pc) =	sbr.abs _section_cstart, $3  }
0xc0: {  	[dreg:$0x1] =	wrdreg $0xFFFFFFFF  }
0xc1: {  	_ =	task.clear_ibuf [dreg:s7], $0x2FFFF;
	_ =	strace $0x9FFFFFFF  }
0xc2: {  	(tm) =	ssettm $0x7FFFFFFF  }
0xc3: {  	_ =	shalt  }
tec
execute0_lowered:
.L_overlay_start_1:
0x0: {  	(tag) =	ssettag $0x1  }
0x1: {  	s1 =	srdreg.scid;
	s2 =	stileid.u32  }
0x2: {  	s1 =	sand.u32 $0x1, s1;
	s2 =	sshll.u32 s2, $0x1  }
0x3: {  	s2 =	sor.u32 s1, s2  }
0x4: {  	s0 =	rddreg [dreg:$0x0];
	s3 =	simm.s32 $0x0;
	s4 =	smul.u32 $0x3F, s2  }
0x5: {  	[smem:$0x7FF] =	sst s3;
	s26 =	sshll.u32 s2, $0x5;
	s31 =	smul.u32 $0xFA, s2  }
0x6: {  	s1 =	ssub.s32 $0x2, s1;
	_ =	strace $0x80000047;
	s3 =	sadd.s32 s26, s0  }
0x7: {  	s4 =	sadd.s32 s4, s0;
	s0 =	sadd.s32 $0xA00, s0;
	[dreg:$0x17] =	wrdreg s31  }
0x8: {  	s5 =	sshrl.u32 s1, $0x1;
	s29 =	sadd.s32 $0xE00, s3;
	[dreg:$0x14] =	wrdreg s0  }
0x9: {  	s28 =	ssub.s32 s1, s5;
	[dreg:$0x15] =	wrdreg s29;
	s30 =	sadd.s32 $0x1200, s4  }
0xa: {  	s0 =	smax.u32 s28, $0x1;
	[dreg:$0x16] =	wrdreg s30  }
0xb: {  	s2 =	simm.s32 $0x0;
	[dreg:$0x18] =	wrdreg s0  }
.LBB2_1:
0xc: {  	[dreg:$0x19] =	wrdreg s2  }
0xd: {  	s0 =	simm.s32 $0x0;
	s1 =	rddreg [dreg:$0x15];
	s28 =	simm.s32 $0x2  }
0xe: {  	[tilespmem:s0], [sflag:$0x2] =	stream.linear.gather [hbm4b:s1+s0], $0xFA, $0x38;
	[tilespmem:$0x7F18] =	vst v63  }
0xf: {  	_ =	swait.ge [sflag:s28], $0xFA  }
0x10: {  	[sflag:s28] =	ssyncset.done $0x0  }
0x11: {  	s3 =	simm.s32 $0x110;
	s29 =	rddreg [dreg:$0x16];
	[sflag:s28] =	ssyncadd.s32 $0xFFFFFF06  }
0x12: {  	[tilespmem:s3], [sflag:$0x2] =	stream.linear.gather [hbm4b:s29+s0], $0x1F4, $0x38;
	[tilespmem:$0x7F18] =	vst v63  }
0x13: {  	_ =	swait.ge [sflag:s28], $0x1F4  }
0x14: {  	[sflag:s28] =	ssyncset.done $0x0  }
0x15: {  	s31 =	simm.s32 $0x318;
	s30 =	rddreg [dreg:$0x14];
	[sflag:s28] =	ssyncadd.s32 $0xFFFFFE0C  }
0x16: {  	[tilespmem:s31], [sflag:$0x2] =	stream.linear.gather [hbm4b:s30+s0], $0x1800, $0x38;
	[tilespmem:$0x7F18] =	vst v63  }
0x17: {  	_ =	swait.ge [sflag:s28], $0x1800  }
0x18: {  	[sflag:s28] =	ssyncset.done $0x0  }
0x19: {  	s6 =	simm.s32 $0x0;
	[sflag:s28] =	ssyncadd.s32 $0xFFFFE800  }
.LBB2_2:
0x1a: {  	s25 =	smul.u32 $0x19, s6;
	_ =	sdelay $0x1  }
0x1b: {  	p0 =	slt.u32 s6, $0x2;
	v0 =	vmov s25  }
0x1c: {  	s0 =	simm.s32 @!p0 $0x1  }
0x1d: {  	_ =	swait.ge @!p0 [sflag:s0], $0x3200  }
0x1e: {  	[sflag:s0] =	ssyncset.done @!p0 $0x0  }
0x1f: {  	s21 =	simm.s32 $0x0;
	[sflag:s0] =	ssyncadd.s32 @!p0 $0xFFFFCE00  }
0x20: {  	v1 =	vld.idx.msk [tilespmem:v0+s21+$0x0 ss:$0x1], $0xffff;
	_ =	sdelay $0x4  }
0x21: {  	(v2sf) =	vpush v1, $0x0;
	_ =	sdelay $0xe  }
0x22: {  	s22 =	spop (v2sf)  }
0x23: {  	s1 =	simm.s32 $0x0;
	s0 =	smul.u32 $0x1800, s22  }
0x24: {  	s1 =	sand.u32 $0xC, s1;
	s2 =	sadd.s32 $0x0, s25  }
0x25: {  	s7 =	sshll.u32 s1, $0x5;
	s2 =	sshll.u32 s2, $0x1;
	s0 =	sshra.s32 s0, $0x2  }
0x26: {  	s3 =	sor.u32 $0x60, s7;
	s23 =	sand.u32 $0x3FFFFFFE, s2;
	s8 =	sadd.s32 $0x318, s0  }
0x27: {  	v2 =	vld [tilespmem:s23+$0x110];
	s0 =	sadd.s32 s3, s8  }
0x28: {  	v3 =	vld [tilespmem:s0+$0x0]  }
0x29: {  	v4 =	vld [tilespmem:s0+$0x200];
	_ =	sdelay $0x1  }
0x2a: {  	s24 =	simm.s32 $0x0  }
0x2b: {  	v6 =	vld.idx.msk [tilespmem:v0+s24+$0x0 ss:$0x1], $0xffff;
	v5 =	vbroadcast v2, $0x1;
	v1 =	vbroadcast v2, $0x0  }
0x2c: {  	s26 =	sadd.s32 s7, s8;
	v2 =	vld [tilespmem:s0+$0x400]  }
0x2d: {  	s12 =	sor.u32 $0x20, s7;
	v7 =	vld [tilespmem:s26+$0x0];
	v3 =	vmul.f32 v3, v1;
	v4 =	vmul.f32 v4, v5  }
0x2e: {  	s9 =	sor.u32 $0x40, s7;
	s2 =	sadd.s32 s12, s8;
	v8 =	vld [tilespmem:s26+$0x200]  }
0x2f: {  	s4 =	sadd.s32 s9, s8;
	v9 =	vld [tilespmem:s2+$0x200];
	v3 =	vadd.f32 v4, v3  }
0x30: {  	(v2sf) =	vpush v6, $0x0;
	v6 =	vld [tilespmem:s4+$0x200]  }
0x31: {  	v2 =	vadd.f32 v3, v2;
	v3 =	vld [tilespmem:s4+$0x0]  }
0x32: {  	v4 =	vld [tilespmem:s2+$0x0]  }
0x33: {  	v2 =	vadd.f32 v2, v2  }
0x34: {  	v10 =	vld [tilespmem:s26+$0x400];
	v7 =	vmul.f32 v7, v1;
	v8 =	vmul.f32 v8, v5  }
0x35: {  	v12 =	vld [tilespmem:s4+$0x400];
	v9 =	vmul.f32 v9, v5;
	v2 =	vmul.f32 $1.442695020e+00, v2  }
0x36: {  	v11 =	vld [tilespmem:s2+$0x400];
	v6 =	vmul.f32 v6, v5;
	v3 =	vmul.f32 v3, v1  }
0x37: {  	v4 =	vmul.f32 v4, v1;
	(erf) = vpow2.f32 v2  }
0x38: {  	v2 =	vadd.f32 v8, v7;
	v3 =	vadd.f32 v6, v3  }
0x39: {  	v4 =	vadd.f32 v9, v4  }
0x3a: {  	v2 =	vadd.f32 v2, v10;
	v3 =	vadd.f32 v3, v12  }
0x3b: {  	v4 =	vadd.f32 v4, v11  }
0x3c: {  	v2 =	vadd.f32 v2, v2;
	v3 =	vadd.f32 v3, v3  }
0x3d: {  	v4 =	vadd.f32 v4, v4  }
0x3e: {  	v2 =	vmul.f32 $1.442695020e+00, v2  }
0x3f: {  	s5 =	spop (v2sf);
	v4 =	vmul.f32 $1.442695020e+00, v4  }
0x40: {  	s0 =	smul.u32 $0x1800, s5;
	(erf) = vpow2.f32 v2;
	v2 =	vmul.f32 $1.442695020e+00, v3;
	v3 =	vpop (erf)  }
0x41: {  	s10 =	simm.s32 $0x4;
	(erf) = vpow2.f32 v4;
	v3 =	vadd.f32 $1.000000000e+00, v3  }
0x42: {  	s1 =	sand.u32 $0xC, s10;
	s0 =	sshra.s32 s0, $0x2;
	(erf) = vpow2.f32 v2  }
0x43: {  	s11 =	sadd.s32 $0x0, s25;
	s1 =	sshll.u32 s1, $0x5;
	s0 =	sadd.s32 $0x318, s0;
	(erf) = vrcp.f32 v3  }
0x44: {  	s2 =	sshll.u32 s11, $0x1;
	s5 =	sadd.s32 s1, s0  }
0x45: {  	s11 =	sor.u32 $0x60, s1;
	s2 =	sand.u32 $0x3FFFFFFE, s2;
	v7 =	vld [tilespmem:s5+$0x0]  }
0x46: {  	s13 =	sadd.s32 s11, s0;
	v2 =	vld [tilespmem:s2+$0x110]  }
0x47: {  	v6 =	vld [tilespmem:s13+$0x200]  }
0x48: {  	v4 =	vld [tilespmem:s13+$0x0]  }
0x49: {  	s10 =	sor.u32 $0x20, s1;
	s4 =	simm.s32 $0x0;
	v10 =	vld [tilespmem:s5+$0x200];
	[dreg:$0x1a] =	wrdreg s6;
	v3 =	vpop (erf)  }
0x4a: {  	s15 =	sadd.s32 s10, s0;
	v12 =	vld.idx.msk [tilespmem:v0+s4+$0x0 ss:$0x1], $0xffff;
	v8 =	vadd.f32 $1.000000000e+00, v3;
	v9 =	vpop (erf)  }
0x4b: {  	v15 =	vld [tilespmem:s15+$0x200];
	v3 =	vbroadcast v2, $0x0;
	v2 =	vbroadcast v2, $0x1;
	v11 =	vpop (erf)  }
0x4c: {  	s14 =	sand.u32 $0x1, s6;
	s16 =	simm.s32 $0x0;
	v9 =	vadd.f32 $1.000000000e+00, v9;
	(erf) = vrcp.f32 v8;
	v8 =	vld [tilespmem:s13+$0x400];
	v13 =	vpop (erf)  }
0x4d: {  	p0 =	seq.s32 s14, $0x1;
	s26 =	simm.s32 $0x4D18;
	s4 =	sor.u32 $0x40, s1;
	v14 =	vld [tilespmem:s15+$0x0];
	v4 =	vmul.f32 v4, v3;
	v6 =	vmul.f32 v6, v2;
	v13 =	vadd.f32 v13, v13  }
0x4e: {  	s26 =	simm.s32 @!p0 $0x1B18;
	s2 =	sand.u32 $0x3FFFFE00, s16;
	v17 =	vld [tilespmem:s5+$0x400];
	s13 =	sadd.s32 s4, s0;
	v11 =	vadd.f32 $1.000000000e+00, v11  }
0x4f: {  	s2 =	sadd.s32 s2, s26;
	v16 =	vld [tilespmem:s13+$0x0];
	(erf) = vrcp.f32 v9;
	v4 =	vadd.f32 v6, v4;
	v6 =	vsub.f32 $1.000000000e+00, v13  }
0x50: {  	s14 =	sadd.s32 s3, s2;
	s3 =	sor.u32 $0x70, s7;
	(erf) = vrcp.f32 v11;
	v11 =	vld [tilespmem:s15+$0x400]  }
0x51: {  	s17 =	sadd.s32 s3, s8;
	(v2sf) =	vpush v12, $0x0;
	v12 =	vmul.f32 v15, v2;
	v13 =	vld [tilespmem:s13+$0x200];
	v4 =	vadd.f32 v4, v8;
	[tilespmem:s14+$0x0] =	vst v6  }
0x52: {  	v8 =	vmul.f32 v10, v2;
	v10 =	vmul.f32 v14, v3;
	v9 =	vld [tilespmem:s17+$0x200]  }
0x53: {  	v6 =	vmul.f32 v7, v3;
	v7 =	vld [tilespmem:s17+$0x0];
	v4 =	vadd.f32 v4, v4  }
0x54: {  	v10 =	vadd.f32 v12, v10  }
0x55: {  	v6 =	vadd.f32 v8, v6;
	v4 =	vmul.f32 $1.442695020e+00, v4  }
0x56: {  	v15 =	vld [tilespmem:s13+$0x400];
	v14 =	vmul.f32 v16, v3;
	v13 =	vmul.f32 v13, v2;
	v10 =	vadd.f32 v10, v11  }
0x57: {  	v8 =	vpop (erf);
	v6 =	vadd.f32 v6, v17;
	(erf) = vpow2.f32 v4;
	v4 =	vld [tilespmem:s17+$0x400];
	v9 =	vmul.f32 v9, v5  }
0x58: {  	v8 =	vadd.f32 v8, v8;
	v12 =	vadd.f32 v13, v14;
	v7 =	vmul.f32 v7, v1  }
0x59: {  	v10 =	vadd.f32 v10, v10;
	v6 =	vadd.f32 v6, v6  }
0x5a: {  	v8 =	vsub.f32 $1.000000000e+00, v8;
	v7 =	vadd.f32 v9, v7  }
0x5b: {  	s18 =	sadd.s32 s7, s2;
	v11 =	vadd.f32 v12, v15;
	v6 =	vmul.f32 $1.442695020e+00, v6;
	v9 =	vpop (erf)  }
0x5c: {  	s5 =	sor.u32 $0x10, s7;
	[tilespmem:s18+$0x0] =	vst v8;
	v8 =	vmul.f32 $1.442695020e+00, v10;
	v4 =	vadd.f32 v7, v4;
	v9 =	vadd.f32 v9, v9;
	v12 =	vpop (erf)  }
0x5d: {  	s19 =	sadd.s32 s5, s8;
	v10 =	vadd.f32 v11, v11;
	v7 =	vadd.f32 v12, v12  }
0x5e: {  	v11 =	vld [tilespmem:s19+$0x0];
	(erf) = vpow2.f32 v6;
	v4 =	vadd.f32 v4, v4;
	v6 =	vsub.f32 $1.000000000e+00, v9  }
0x5f: {  	s6 =	sor.u32 $0x30, s7;
	s12 =	sadd.s32 s12, s2;
	v10 =	vmul.f32 $1.442695020e+00, v10;
	v9 =	vld [tilespmem:s19+$0x200]  }
0x60: {  	s20 =	sadd.s32 s6, s8;
	(erf) = vpow2.f32 v8;
	v12 =	vld [tilespmem:s19+$0x400];
	v7 =	vsub.f32 $1.000000000e+00, v7;
	v8 =	vpop (erf);
	v4 =	vmul.f32 $1.442695020e+00, v4;
	[tilespmem:s12+$0x0] =	vst v6  }
0x61: {  	s7 =	sor.u32 $0x50, s7;
	s9 =	sadd.s32 s9, s2;
	s21 =	spop (v2sf);
	(erf) = vpow2.f32 v10;
	v6 =	vadd.f32 $1.000000000e+00, v8;
	v8 =	vld [tilespmem:s20+$0x0]  }
0x62: {  	s22 =	simm.s32 $0x8;
	s18 =	sadd.s32 s7, s8;
	s12 =	smul.u32 $0x1800, s21;
	[tilespmem:s9+$0x0] =	vst v7;
	v7 =	vld [tilespmem:s20+$0x200];
	(erf) = vpow2.f32 v4  }
0x63: {  	s23 =	sadd.s32 $0x0, s25;
	s8 =	sand.u32 $0xC, s22;
	(erf) = vrcp.f32 v6;
	v4 =	vld [tilespmem:s18+$0x0]  }
0x64: {  	s24 =	sshll.u32 s23, $0x1;
	s9 =	sshll.u32 s8, $0x5;
	v6 =	vmul.f32 v11, v1;
	s12 =	sshra.s32 s12, $0x2;
	v10 =	vld [tilespmem:s18+$0x200];
	v9 =	vmul.f32 v9, v5  }
0x65: {  	s13 =	sand.u32 $0x3FFFFFFE, s24;
	s16 =	sor.u32 $0x60, s9;
	v11 =	vld [tilespmem:s20+$0x400];
	s8 =	sadd.s32 $0x318, s12  }
0x66: {  	s15 =	sadd.s32 s16, s8;
	v6 =	vadd.f32 v9, v6;
	v9 =	vld [tilespmem:s13+$0x110]  }
0x67: {  	v13 =	vpop (erf);
	v14 =	vld [tilespmem:s15+$0x0]  }
0x68: {  	s20 =	simm.s32 $0x0;
	v6 =	vadd.f32 v6, v12;
	v12 =	vadd.f32 $1.000000000e+00, v13;
	v13 =	vld [tilespmem:s15+$0x200]  }
0x69: {  	s12 =	sor.u32 $0x20, s9;
	v19 =	vld.idx.msk [tilespmem:v0+s20+$0x0 ss:$0x1], $0xffff;
	s17 =	sadd.s32 s9, s8;
	v15 =	vpop (erf);
	v8 =	vmul.f32 v8, v1;
	v7 =	vmul.f32 v7, v5  }
0x6a: {  	s19 =	sadd.s32 s12, s8;
	v16 =	vld [tilespmem:s17+$0x0];
	v15 =	vadd.f32 $1.000000000e+00, v15;
	v17 =	vmul.f32 v4, v1;
	v18 =	vpop (erf);
	v5 =	vmul.f32 v10, v5  }
0x6b: {  	v20 =	vld [tilespmem:s19+$0x0];
	v7 =	vadd.f32 v7, v8;
	v4 =	vbroadcast v9, $0x0;
	v1 =	vbroadcast v9, $0x1;
	v9 =	vpop (erf)  }
0x6c: {  	v10 =	vld [tilespmem:s15+$0x400];
	v8 =	vadd.f32 $1.000000000e+00, v18;
	v6 =	vadd.f32 v6, v6;
	(erf) = vrcp.f32 v12;
	v18 =	vpop (erf)  }
0x6d: {  	s21 =	simm.s32 $0x80;
	s13 =	sor.u32 $0x40, s9;
	v21 =	vld [tilespmem:s19+$0x200];
	v14 =	vmul.f32 v14, v4;
	v13 =	vmul.f32 v13, v1;
	v18 =	vadd.f32 v18, v18  }
0x6e: {  	s14 =	sand.u32 $0x3FFFFE00, s21;
	s20 =	sadd.s32 s13, s8;
	v12 =	vld [tilespmem:s17+$0x200];
	v7 =	vadd.f32 v7, v11;
	(erf) = vrcp.f32 v15;
	v9 =	vadd.f32 $1.000000000e+00, v9  }
0x6f: {  	s14 =	sadd.s32 s14, s26;
	v11 =	vld [tilespmem:s20+$0x0];
	v6 =	vmul.f32 $1.442695020e+00, v6;
	v13 =	vadd.f32 v13, v14;
	v14 =	vsub.f32 $1.000000000e+00, v18  }
0x70: {  	s11 =	sadd.s32 s11, s14;
	s15 =	sor.u32 $0x70, s1;
	v15 =	vmul.f32 v16, v4;
	(erf) = vrcp.f32 v9;
	v9 =	vld [tilespmem:s20+$0x200]  }
0x71: {  	s22 =	sadd.s32 s15, s0;
	v7 =	vadd.f32 v7, v7;
	(erf) = vrcp.f32 v8;
	v8 =	vld [tilespmem:s17+$0x400];
	v10 =	vadd.f32 v13, v10;
	[tilespmem:s11+$0x0] =	vst v14  }
0x72: {  	(v2sf) =	vpush v19, $0x0;
	v16 =	vmul.f32 v21, v1;
	(erf) = vpow2.f32 v6;
	v6 =	vld [tilespmem:s22+$0x0]  }
0x73: {  	v12 =	vmul.f32 v12, v1;
	v7 =	vmul.f32 $1.442695020e+00, v7;
	v14 =	vld [tilespmem:s22+$0x200];
	v10 =	vadd.f32 v10, v10  }
0x74: {  	v5 =	vadd.f32 v5, v17;
	v17 =	vld [tilespmem:s19+$0x400];
	v11 =	vmul.f32 v11, v4;
	v13 =	vmul.f32 v20, v4  }
0x75: {  	v12 =	vadd.f32 v12, v15;
	v15 =	vpop (erf);
	v9 =	vmul.f32 v9, v1;
	v10 =	vmul.f32 $1.442695020e+00, v10  }
0x76: {  	(erf) = vpow2.f32 v7;
	v7 =	vadd.f32 v16, v13;
	v13 =	vld [tilespmem:s20+$0x400];
	v15 =	vadd.f32 v15, v15  }
0x77: {  	v8 =	vadd.f32 v12, v8;
	v9 =	vadd.f32 v9, v11;
	(erf) = vpow2.f32 v10;
	v10 =	vld [tilespmem:s22+$0x400]  }
0x78: {  	v11 =	vsub.f32 $1.000000000e+00, v15;
	v6 =	vmul.f32 v6, v3;
	v12 =	vmul.f32 v14, v2  }
0x79: {  	s23 =	sadd.s32 s1, s14;
	s17 =	sor.u32 $0x10, s1;
	v7 =	vadd.f32 v7, v17;
	v8 =	vadd.f32 v8, v8  }
0x7a: {  	s24 =	sadd.s32 s17, s0;
	v14 =	vpop (erf);
	[tilespmem:s23+$0x0] =	vst v11;
	v6 =	vadd.f32 v12, v6;
	v12 =	vld [tilespmem:s18+$0x400]  }
0x7b: {  	v7 =	vadd.f32 v7, v7;
	v15 =	vpop (erf);
	v8 =	vmul.f32 $1.442695020e+00, v8;
	v9 =	vadd.f32 v9, v13;
	v13 =	vld [tilespmem:s24+$0x0]  }
0x7c: {  	v14 =	vadd.f32 v14, v14;
	v11 =	vpop (erf);
	v6 =	vadd.f32 v6, v10;
	v10 =	vld [tilespmem:s24+$0x200]  }
0x7d: {  	v7 =	vmul.f32 $1.442695020e+00, v7;
	v9 =	vadd.f32 v9, v9;
	v11 =	vadd.f32 v11, v11  }
0x7e: {  	(erf) = vpow2.f32 v8;
	v14 =	vsub.f32 $1.000000000e+00, v14;
	v6 =	vadd.f32 v6, v6  }
0x7f: {  	s10 =	sadd.s32 s10, s14;
	s18 =	sor.u32 $0x30, s1;
	(erf) = vpow2.f32 v7;
	v8 =	vpop (erf);
	v9 =	vmul.f32 $1.442695020e+00, v9;
	v11 =	vsub.f32 $1.000000000e+00, v11  }
0x80: {  	s19 =	sor.u32 $0x50, s1;
	s11 =	sadd.s32 s4, s14;
	s21 =	sadd.s32 s18, s0;
	v7 =	vld [tilespmem:s24+$0x400];
	[tilespmem:s10+$0x0] =	vst v14;
	v16 =	vpop (erf);
	v5 =	vadd.f32 v5, v12;
	v12 =	vmul.f32 v13, v3;
	v6 =	vmul.f32 $1.442695020e+00, v6  }
0x81: {  	s20 =	sadd.s32 s19, s0;
	s22 =	spop (v2sf);
	(erf) = vpow2.f32 v9;
	v9 =	vld [tilespmem:s21+$0x0];
	[tilespmem:s11+$0x0] =	vst v11;
	s11 =	simm.s32 $0xC;
	v17 =	vpop (erf);
	v10 =	vmul.f32 v10, v2  }
0x82: {  	s23 =	simm.s32 $0xC;
	s24 =	smul.u32 $0x1800, s22;
	v11 =	vld [tilespmem:s21+$0x200];
	[dreg:$0xf] =	wrdreg s11;
	v13 =	vadd.f32 $1.000000000e+00, v17;
	(erf) = vpow2.f32 v6;
	v6 =	vadd.f32 $1.000000000e+00, v8  }
0x83: {  	s22 =	sand.u32 $0xC, s23;
	s23 =	sadd.s32 $0x0, s25;
	v8 =	vld [tilespmem:s20+$0x0];
	v10 =	vadd.f32 v10, v12;
	v12 =	vadd.f32 $1.000000000e+00, v16  }
0x84: {  	s4 =	sshll.u32 s23, $0x1;
	s10 =	sshll.u32 s22, $0x5;
	s1 =	sshra.s32 s24, $0x2;
	v5 =	vadd.f32 v5, v5;
	(erf) = vrcp.f32 v13;
	v13 =	vld [tilespmem:s20+$0x200]  }
0x85: {  	s22 =	sand.u32 $0x3FFFFFFE, s4;
	s0 =	sor.u32 $0x60, s10;
	s28 =	sadd.s32 $0x318, s1;
	(erf) = vrcp.f32 v6;
	v6 =	vld [tilespmem:s21+$0x400]  }
0x86: {  	s24 =	sadd.s32 s0, s28;
	v14 =	vmul.f32 $1.442695020e+00, v5;
	v7 =	vadd.f32 v10, v7;
	v10 =	vld [tilespmem:s22+$0x110];
	[dreg:$0x10] =	wrdreg s0  }
0x87: {  	v5 =	vadd.f32 v15, v15;
	v9 =	vmul.f32 v9, v3;
	(erf) = vrcp.f32 v12;
	v15 =	vld [tilespmem:s24+$0x200];
	v12 =	vpop (erf)  }
0x88: {  	v11 =	vmul.f32 v11, v2;
	s22 =	sadd.s32 s10, s28;
	(erf) = vpow2.f32 v14;
	v14 =	vld [tilespmem:s24+$0x0];
	v12 =	vadd.f32 $1.000000000e+00, v12;
	v16 =	vpop (erf)  }
0x89: {  	s23 =	simm.s32 $0x1;
	v17 =	vld [tilespmem:s22+$0x0];
	v8 =	vmul.f32 v8, v3;
	v16 =	vadd.f32 $1.000000000e+00, v16  }
0x8a: {  	s1 =	sor.u32 $0x20, s10;
	v9 =	vadd.f32 v11, v9;
	v11 =	vld.idx.msk [tilespmem:v0+s23+$0x0 ss:$0x1], $0xffff;
	(erf) = vrcp.f32 v12;
	v12 =	vmul.f32 v13, v2  }
0x8b: {  	v7 =	vadd.f32 v7, v7;
	v18 =	vpop (erf);
	v13 =	vld [tilespmem:s22+$0x200];
	v3 =	vbroadcast v10, $0x0;
	v2 =	vbroadcast v10, $0x1;
	[dreg:$0xe] =	wrdreg s1  }
0x8c: {  	v6 =	vadd.f32 v9, v6;
	v10 =	vadd.f32 $1.000000000e+00, v18;
	v18 =	vpop (erf);
	v19 =	vld [tilespmem:s24+$0x400];
	(erf) = vrcp.f32 v16  }
0x8d: {  	s4 =	sadd.s32 s1, s28;
	v8 =	vadd.f32 v12, v8;
	v14 =	vmul.f32 v14, v3;
	v15 =	vmul.f32 v15, v2;
	v16 =	vpop (erf)  }
0x8e: {  	s11 =	sor.u32 $0x40, s10;
	s24 =	simm.s32 $0x100;
	v58 =	vld [tilespmem:s4+$0x200];
	v12 =	vadd.f32 $1.000000000e+00, v18;
	v16 =	vadd.f32 v16, v16  }
0x8f: {  	v7 =	vmul.f32 $1.442695020e+00, v7;
	v18 =	vld [tilespmem:s4+$0x0];
	s21 =	sand.u32 $0x3FFFFE00, s24;
	[dreg:$0xd] =	wrdreg s11;
	s24 =	sadd.s32 s11, s28;
	v14 =	vadd.f32 v15, v14  }
0x90: {  	v6 =	vadd.f32 v6, v6;
	v57 =	vpop (erf);
	(erf) = vrcp.f32 v12;
	v12 =	vmul.f32 v13, v2;
	v13 =	vld [tilespmem:s24+$0x0]  }
0x91: {  	v17 =	vmul.f32 v17, v3;
	v9 =	vpop (erf);
	[dreg:$0x4] =	wrdreg s26;
	s26 =	sadd.s32 s21, s26;
	v15 =	vsub.f32 $1.000000000e+00, v16;
	v14 =	vadd.f32 v14, v19  }
0x92: {  	s29 =	sor.u32 $0x70, s9;
	(v2sf) =	vpush v11, $0x0;
	v6 =	vmul.f32 $1.442695020e+00, v6;
	s16 =	sadd.s32 s16, s26;
	v16 =	vpop (erf);
	(erf) = vrcp.f32 v10;
	v10 =	vld [tilespmem:s24+$0x200]  }
0x93: {  	s0 =	sadd.s32 s29, s8;
	v11 =	vld [tilespmem:s22+$0x400];
	[tilespmem:s16+$0x0] =	vst v15;
	v14 =	vadd.f32 v14, v14;
	v15 =	vadd.f32 $1.000000000e+00, v16;
	(erf) = vpow2.f32 v7  }
0x94: {  	v7 =	vadd.f32 v12, v17;
	v12 =	vmul.f32 v18, v3;
	v16 =	vld [tilespmem:s0+$0x0];
	v18 =	vmul.f32 v58, v2  }
0x95: {  	v59 =	vld [tilespmem:s4+$0x400];
	v13 =	vmul.f32 v13, v3  }
0x96: {  	v17 =	vpop (erf);
	v19 =	vld [tilespmem:s0+$0x200];
	(erf) = vpow2.f32 v6;
	v14 =	vmul.f32 $1.442695020e+00, v14  }
0x97: {  	v17 =	vadd.f32 v17, v17;
	(erf) = vrcp.f32 v15;
	v10 =	vmul.f32 v10, v2  }
0x98: {  	v60 =	vld [tilespmem:s24+$0x400];
	v12 =	vadd.f32 v18, v12;
	v7 =	vadd.f32 v7, v11;
	v18 =	vpop (erf);
	(erf) = vpow2.f32 v14  }
0x99: {  	s6 =	sadd.s32 s6, s2;
	v14 =	vld [tilespmem:s0+$0x400];
	v16 =	vmul.f32 v16, v4;
	v10 =	vadd.f32 v10, v13;
	v13 =	vsub.f32 $1.000000000e+00, v17  }
0x9a: {  	s4 =	sadd.s32 s9, s26;
	v12 =	vadd.f32 v12, v59;
	v11 =	vadd.f32 v18, v18;
	v18 =	vld [tilespmem:s20+$0x400];
	[dreg:$0x5] =	wrdreg s6  }
0x9b: {  	s15 =	sadd.s32 s15, s14;
	s1 =	sor.u32 $0x10, s9;
	s11 =	sadd.s32 s7, s2;
	v7 =	vadd.f32 v7, v7;
	v17 =	vmul.f32 v19, v1;
	[tilespmem:s4+$0x0] =	vst v13  }
0x9c: {  	s21 =	sadd.s32 s5, s2;
	s5 =	sadd.s32 s1, s8;
	v15 =	vpop (erf);
	v12 =	vadd.f32 v12, v12;
	[dreg:$0x6] =	wrdreg s11  }
0x9d: {  	s30 =	sadd.s32 s19, s14;
	s31 =	sadd.s32 s17, s14;
	s1 =	sadd.s32 s1, s26;
	v7 =	vmul.f32 $1.442695020e+00, v7;
	v11 =	vsub.f32 $1.000000000e+00, v11;
	v13 =	vadd.f32 v17, v16;
	v16 =	vpop (erf);
	v17 =	vld [tilespmem:s5+$0x0]  }
0x9e: {  	s23 =	sadd.s32 s12, s26;
	s20 =	sor.u32 $0x30, s9;
	v10 =	vadd.f32 v10, v60;
	v19 =	vld [tilespmem:s5+$0x200];
	v16 =	vadd.f32 v16, v16;
	[dreg:$0xc] =	wrdreg s1  }
0x9f: {  	s17 =	simm.s32 $0x10;
	s22 =	sor.u32 $0x50, s9;
	v13 =	vadd.f32 v13, v14;
	v61 =	vld [tilespmem:s5+$0x400];
	[tilespmem:s23+$0x0] =	vst v11;
	s5 =	sadd.s32 s20, s26  }
0xa0: {  	s24 =	sadd.s32 s13, s26;
	s13 =	sadd.s32 $0x1, s25;
	v12 =	vmul.f32 $1.442695020e+00, v12;
	v14 =	vpop (erf);
	v10 =	vadd.f32 v10, v10;
	[dreg:$0xb] =	wrdreg s5  }
0xa1: {  	(erf) = vpow2.f32 v7;
	s11 =	sadd.s32 s18, s14;
	s14 =	sadd.s32 s22, s26;
	v7 =	vpop (erf);
	v13 =	vadd.f32 v13, v13;
	[dreg:$0x3] =	wrdreg s25  }
0xa2: {  	s16 =	sshll.u32 s13, $0x1;
	s7 =	sadd.s32 s20, s8;
	(erf) = vpow2.f32 v12;
	v10 =	vmul.f32 $1.442695020e+00, v10;
	v12 =	vsub.f32 $1.000000000e+00, v16;
	[dreg:$0x7] =	wrdreg s14;
	v16 =	vpop (erf)  }
0xa3: {  	v5 =	vsub.f32 $1.000000000e+00, v5;
	s19 =	sand.u32 $0x3FFFFFFE, s16;
	s6 =	sadd.s32 s3, s2;
	s4 =	spop (v2sf);
	v8 =	vadd.f32 v8, v18;
	v18 =	vld [tilespmem:s7+$0x0];
	v13 =	vmul.f32 $1.442695020e+00, v13;
	v11 =	vpop (erf)  }
0xa4: {  	v62 =	vadd.f32 v9, v9;
	s9 =	sadd.s32 s22, s8;
	s8 =	smul.u32 $0x1800, s4;
	s18 =	sand.u32 $0xC, s17;
	(erf) = vpow2.f32 v10;
	[tilespmem:s24+$0x0] =	vst v12;
	v12 =	vld [tilespmem:s7+$0x200];
	v11 =	vadd.f32 $1.000000000e+00, v11  }
0xa5: {  	v6 =	vadd.f32 v57, v57;
	s22 =	sor.u32 $0x30, s10;
	s4 =	smov.u32 s10;
	s20 =	sor.u32 $0x10, s10;
	v10 =	vmul.f32 v19, v1;
	v19 =	vld [tilespmem:s9+$0x0];
	(erf) = vpow2.f32 v13  }
0xa6: {  	s2 =	sshra.s32 s8, $0x2;
	s23 =	sor.u32 $0x50, s10;
	v17 =	vmul.f32 v17, v4;
	(erf) = vrcp.f32 v11;
	v11 =	vadd.f32 $1.000000000e+00, v7;
	v7 =	vld [tilespmem:s7+$0x400];
	[dreg:$0x8] =	wrdreg s20  }
0xa7: {  	v15 =	vadd.f32 v15, v15;
	s8 =	smov.u32 s28;
	v8 =	vadd.f32 v8, v8;
	s24 =	sadd.s32 s22, s28;
	[dreg:$0x9] =	wrdreg s22  }
0xa8: {  	s14 =	sshll.u32 s18, $0x5;
	s3 =	sadd.s32 $0x318, s2;
	v13 =	vadd.f32 $1.000000000e+00, v14;
	v10 =	vadd.f32 v10, v17;
	[dreg:$0x12] =	wrdreg s24  }
0xa9: {  	v15 =	vsub.f32 $1.000000000e+00, v15;
	s13 =	sadd.s32 s20, s28;
	s25 =	sadd.s32 s23, s28;
	v63 =	vadd.f32 v16, v16;
	v14 =	vmul.f32 $1.442695020e+00, v8;
	v8 =	vld [tilespmem:s19+$0x110];
	[dreg:$0xa] =	wrdreg s23  }
0xaa: {  	s18 =	sor.u32 $0x60, s14;
	s16 =	sor.u32 $0x20, s14;
	(erf) = vrcp.f32 v13;
	v13 =	vadd.f32 v10, v61;
	[dreg:$0x11] =	wrdreg s25;
	v10 =	vmul.f32 v18, v4  }
0xab: {  	v6 =	vsub.f32 $1.000000000e+00, v6;
	s12 =	sor.u32 $0x10, s14;
	s28 =	sadd.s32 s18, s3;
	s24 =	sadd.s32 s14, s3;
	v16 =	vmul.f32 v12, v1;
	(erf) = vrcp.f32 v11;
	[tilespmem:s6+$0x0] =	vst v5;
	v11 =	vld [tilespmem:s9+$0x200];
	v5 =	vpop (erf)  }
0xac: {  	s22 =	sadd.s32 s16, s3;
	s7 =	sor.u32 $0x50, s14;
	s25 =	sor.u32 $0x40, s14;
	[tilespmem:s15+$0x0] =	vst v15;
	v9 =	vld [tilespmem:s28+$0x0];
	v12 =	vmul.f32 v19, v4;
	v4 =	vsub.f32 $1.000000000e+00, v63;
	v15 =	vadd.f32 $1.000000000e+00, v5  }
0xad: {  	s20 =	sadd.s32 s25, s3;
	[tilespmem:s21+$0x0] =	vst v6;
	s6 =	sor.u32 $0x30, s14;
	s15 =	simm.s32 $0x10;
	(erf) = vpow2.f32 v14;
	v14 =	vadd.f32 v13, v13;
	v13 =	vld [tilespmem:s28+$0x200];
	v17 =	vpop (erf);
	v5 =	vsub.f32 $1.000000000e+00, v62  }
.LBB2_3:
0xae: {  	s21 =	rddreg [dreg:$0x5]  }
0xaf: {  	s1 =	rddreg [dreg:$0x12]  }
0xb0: {  	s0 =	sadd.s32 s12, s3;
	s2 =	rddreg [dreg:$0x6]  }
0xb1: {  	s19 =	sadd.s32 s6, s3;
	[dreg:$0x13] =	wrdreg s0  }
0xb2: {  	[tilespmem:s21+$0x0] =	vst v5;
	s21 =	smov.u32 s1;
	s5 =	smov.u32 s19;
	s1 =	rddreg [dreg:$0xc]  }
0xb3: {  	[dreg:$0x12] =	wrdreg s5  }
0xb4: {  	s17 =	sadd.s32 $0x4, s17;
	v18 =	vld [tilespmem:s24+$0x0];
	[tilespmem:s2+$0x0] =	vst v4;
	s2 =	smov.u32 s1;
	s1 =	rddreg [dreg:$0xb]  }
0xb5: {  	v20 =	vld [tilespmem:s28+$0x400];
	s23 =	sshrl.u32 s17, $0x4;
	s5 =	smov.u32 s11;
	s11 =	rddreg [dreg:$0xf]  }
0xb6: {  	v17 =	vadd.f32 $1.000000000e+00, v17;
	v6 =	vmov v3;
	(erf) = vrcp.f32 v15;
	v15 =	vld [tilespmem:s24+$0x200];
	v19 =	vpop (erf);
	[dreg:$0x5] =	wrdreg s5;
	s5 =	smov.u32 s1;
	s1 =	smov.u32 s15  }
0xb7: {  	v14 =	vmul.f32 $1.442695020e+00, v14;
	v10 =	vadd.f32 v16, v10;
	v16 =	vld.idx.msk [tilespmem:v0+s23+$0x0 ss:$0x1], $0xffff;
	s28 =	sshll.u32 s11, $0x5;
	s11 =	smov.u32 s30;
	v11 =	vmul.f32 v11, v1;
	v1 =	vmovc v2;
	[dreg:$0xf] =	wrdreg s1  }
0xb8: {  	v21 =	vld [tilespmem:s22+$0x200];
	v3 =	vbroadcast v8, $0x0;
	v2 =	vbroadcast v8, $0x1;
	v8 =	vadd.f32 $1.000000000e+00, v19;
	v19 =	vpop (erf);
	[dreg:$0x6] =	wrdreg s11  }
0xb9: {  	s19 =	smov.u32 s31;
	(erf) = vrcp.f32 v17;
	s28 =	sand.u32 $0x3FFFFE00, s28;
	s1 =	rddreg [dreg:$0x7];
	v4 =	vpop (erf);
	v5 =	vadd.f32 v11, v12;
	v11 =	vadd.f32 $1.000000000e+00, v19  }
0xba: {  	v58 =	vld [tilespmem:s22+$0x400];
	s11 =	smov.u32 s29;
	s0 =	smov.u32 s1;
	s1 =	rddreg [dreg:$0x4];
	v9 =	vmul.f32 v9, v3;
	v13 =	vmul.f32 v13, v2;
	v17 =	vadd.f32 v4, v4  }
0xbb: {  	v7 =	vadd.f32 v10, v7;
	v12 =	vld [tilespmem:s22+$0x0];
	v19 =	vpop (erf);
	v18 =	vmul.f32 v18, v3;
	v10 =	vmul.f32 v15, v2;
	s29 =	sadd.s32 s28, s1;
	s1 =	smov.u32 s4;
	s22 =	smov.u32 s12  }
0xbc: {  	v4 =	vpop (erf);
	s31 =	sadd.s32 s4, s29;
	s4 =	rddreg [dreg:$0x10];
	s30 =	sor.u32 $0x70, s1;
	(erf) = vrcp.f32 v11;
	v11 =	vld [tilespmem:s20+$0x0];
	v9 =	vadd.f32 v13, v9;
	v13 =	vsub.f32 $1.000000000e+00, v17  }
0xbd: {  	v7 =	vadd.f32 v7, v7;
	(v2sf) =	vpush v16, $0x0;
	v16 =	vmul.f32 v21, v2;
	v15 =	vpop (erf);
	v17 =	vld [tilespmem:s20+$0x200];
	s4 =	sadd.s32 s4, s29;
	s1 =	sadd.s32 s30, s8;
	s8 =	rddreg [dreg:$0x8]  }
0xbe: {  	[dreg:$0x8] =	wrdreg s22;
	(erf) = vrcp.f32 v8;
	v8 =	vadd.f32 $1.000000000e+00, v15;
	v15 =	vld [tilespmem:s24+$0x400];
	v9 =	vadd.f32 v9, v20;
	[tilespmem:s4+$0x0] =	vst v13  }
0xbf: {  	v19 =	vadd.f32 v19, v19;
	v10 =	vadd.f32 v10, v18;
	v7 =	vmul.f32 $1.442695020e+00, v7;
	s24 =	rddreg [dreg:$0xe];
	v13 =	vld [tilespmem:s1+$0x0]  }
0xc0: {  	s28 =	sadd.s32 s24, s29;
	s24 =	rddreg [dreg:$0xd];
	(erf) = vpow2.f32 v14;
	v14 =	vpop (erf);
	v12 =	vmul.f32 v12, v3;
	v18 =	vld [tilespmem:s1+$0x200];
	v9 =	vadd.f32 v9, v9  }
0xc1: {  	s4 =	sadd.s32 s8, s29;
	s8 =	rddreg [dreg:$0x9];
	v14 =	vadd.f32 v14, v14;
	(erf) = vpow2.f32 v7;
	v11 =	vmul.f32 v11, v3  }
0xc2: {  	[dreg:$0xc] =	wrdreg s4;
	v7 =	vadd.f32 v16, v12;
	v16 =	vmul.f32 v17, v2;
	v9 =	vmul.f32 $1.442695020e+00, v9  }
0xc3: {  	s12 =	smov.u32 s7;
	s4 =	sadd.s32 s8, s29;
	s8 =	rddreg [dreg:$0xa];
	v12 =	vld [tilespmem:s20+$0x400];
	v17 =	vpop (erf);
	(erf) = vrcp.f32 v8;
	v59 =	vsub.f32 $1.000000000e+00, v14;
	v10 =	vadd.f32 v10, v15  }
0xc4: {  	[dreg:$0xa] =	wrdreg s12;
	v8 =	vadd.f32 v16, v11;
	v11 =	vld [tilespmem:s1+$0x400];
	v7 =	vadd.f32 v7, v58;
	(erf) = vpow2.f32 v9  }
0xc5: {  	s10 =	smov.u32 s26;
	[dreg:$0xb] =	wrdreg s4;
	s4 =	sadd.s32 s8, s29;
	v15 =	vadd.f32 v17, v17;
	v13 =	vmul.f32 v13, v6;
	v22 =	vmul.f32 v18, v1  }
0xc6: {  	s26 =	sadd.s32 s7, s3;
	p0 =	slt.u32 s17, $0x18C;
	[dreg:$0x7] =	wrdreg s4;
	v10 =	vadd.f32 v10, v10;
	v14 =	vpop (erf);
	v7 =	vadd.f32 v7, v7  }
0xc7: {  	s4 =	smov.u32 s14;
	s14 =	smov.u32 s18;
	s20 =	rddreg [dreg:$0x13];
	v17 =	vld [tilespmem:s9+$0x400];
	[tilespmem:s31+$0x0] =	vst v59;
	v14 =	vadd.f32 v14, v14;
	v9 =	vpop (erf);
	v13 =	vadd.f32 v22, v13  }
0xc8: {  	s15 =	smov.u32 s17;
	s18 =	smov.u32 s25;
	[dreg:$0x10] =	wrdreg s14;
	v18 =	vld [tilespmem:s13+$0x0];
	v60 =	vmul.f32 $1.442695020e+00, v10;
	v8 =	vadd.f32 v8, v12;
	v62 =	vadd.f32 v9, v9  }
0xc9: {  	s24 =	sadd.s32 s24, s29;
	s25 =	smov.u32 s6;
	[dreg:$0xd] =	wrdreg s18;
	v12 =	vld [tilespmem:s13+$0x200];
	v14 =	vsub.f32 $1.000000000e+00, v14;
	v11 =	vadd.f32 v13, v11  }
0xca: {  	s8 =	smov.u32 s3;
	s14 =	smov.u32 s16;
	[dreg:$0x9] =	wrdreg s25;
	v16 =	vpop (erf);
	v7 =	vmul.f32 $1.442695020e+00, v7;
	v8 =	vadd.f32 v8, v8;
	(erf) = vpow2.f32 v60  }
0xcb: {  	s16 =	smov.u32 s26;
	s18 =	sadd.s32 s11, s10;
	s11 =	smov.u32 s5;
	v10 =	vpop (erf);
	v13 =	vsub.f32 $1.000000000e+00, v15;
	v11 =	vadd.f32 v11, v11  }
0xcc: {  	s26 =	smov.u32 s29;
	s25 =	rddreg [dreg:$0x3];
	(erf) = vpow2.f32 v7;
	v7 =	vsub.f32 $1.000000000e+00, v62;
	[tilespmem:s18+$0x0] =	vst v14;
	v8 =	vmul.f32 $1.442695020e+00, v8;
	v9 =	vpop (erf);
	s22 =	spop (v2sf)  }
0xcd: {  	s29 =	smov.u32 s30;
	[dreg:$0xe] =	wrdreg s14;
	v61 =	vld [tilespmem:s13+$0x400];
	v5 =	vadd.f32 v5, v17;
	v15 =	vmul.f32 v18, v6;
	[tilespmem:s28+$0x0] =	vst v13;
	s1 =	smul.u32 $0x1800, s22;
	v11 =	vmul.f32 $1.442695020e+00, v11;
	v14 =	vpop (erf)  }
0xce: {  	s30 =	smov.u32 s0;
	s14 =	rddreg [dreg:$0x11];
	[tilespmem:s24+$0x0] =	vst v7;
	v17 =	vld [tilespmem:s21+$0x200];
	s24 =	sand.u32 $0xC, s15;
	(erf) = vpow2.f32 v8;
	v8 =	vmul.f32 v12, v1;
	v13 =	vadd.f32 $1.000000000e+00, v14  }
0xcf: {  	s9 =	smov.u32 s14;
	v5 =	vadd.f32 v5, v5;
	v7 =	vadd.f32 $1.000000000e+00, v16;
	s14 =	sshll.u32 s24, $0x5;
	v12 =	vld [tilespmem:s21+$0x0];
	s1 =	sshra.s32 s1, $0x2;
	(erf) = vpow2.f32 v11  }
0xd0: {  	s6 =	sadd.s32 s25, s23;
	v10 =	vadd.f32 $1.000000000e+00, v10;
	v18 =	vld [tilespmem:s9+$0x0];
	s18 =	sor.u32 $0x60, s14;
	s3 =	sadd.s32 $0x318, s1;
	v8 =	vadd.f32 v8, v15;
	(erf) = vrcp.f32 v13  }
.Ltmp0:
0xd1: {  	v4 =	vadd.f32 v4, v4;
	s6 =	sshll.u32 s6, $0x1;
	v5 =	vmul.f32 $1.442695020e+00, v5;
	v11 =	vld [tilespmem:s9+$0x200];
	s28 =	sadd.s32 s18, s3;
	(erf) = vrcp.f32 v7;
	(pc) =	sbr.rel @p0 .LBB2_3-.Ltmp0, $4  }
0xd2: {  	[dreg:$0x11] =	wrdreg s16;
	s31 =	smov.u32 s2;
	s6 =	sand.u32 $0x3FFFFFFE, s6;
	v63 =	vadd.f32 v9, v9;
	v9 =	vld [tilespmem:s28+$0x0];
	v13 =	vadd.f32 v8, v61;
	(erf) = vrcp.f32 v10  }
0xd3: {  	s13 =	smov.u32 s20;
	s16 =	sor.u32 $0x20, s14;
	s25 =	sor.u32 $0x40, s14;
	v16 =	vmul.f32 v17, v1;
	v7 =	vld [tilespmem:s21+$0x400];
	v14 =	vpop (erf);
	(erf) = vpow2.f32 v5;
	v5 =	vsub.f32 $1.000000000e+00, v19  }
0xd4: {  	s12 =	sor.u32 $0x10, s14;
	s7 =	sor.u32 $0x50, s14;
	s24 =	sadd.s32 s14, s3;
	v8 =	vld [tilespmem:s6+$0x110];
	v10 =	vmul.f32 v12, v6;
	v15 =	vadd.f32 $1.000000000e+00, v14;
	v14 =	vadd.f32 v13, v13  }
0xd5: {  	s22 =	sadd.s32 s16, s3;
	s20 =	sadd.s32 s25, s3;
	s6 =	sor.u32 $0x30, s14;
	v17 =	vpop (erf);
	v12 =	vmul.f32 v18, v6;
	v13 =	vld [tilespmem:s28+$0x200];
	[tilespmem:s19+$0x0] =	vst v5;
	v5 =	vsub.f32 $1.000000000e+00, v4;
	v4 =	vsub.f32 $1.000000000e+00, v63  }
0xd6: {  	_ = 	snop  }
0xd7: {  	v38 =	vld [tilespmem:s28+$0x400]  }
0xd8: {  	v20 =	vld [tilespmem:s24+$0x0];
	v18 =	vpop (erf)  }
0xd9: {  	v17 =	vadd.f32 $1.000000000e+00, v17;
	v21 =	vld [tilespmem:s24+$0x200];
	v19 =	vpop (erf);
	v0 =	vbroadcast v8, $0x0;
	v6 =	vbroadcast v8, $0x1  }
0xda: {  	v10 =	vadd.f32 v16, v10;
	s0 =	rddreg [dreg:$0xf];
	v40 =	vld [tilespmem:s22+$0x0];
	v18 =	vadd.f32 $1.000000000e+00, v18;
	v39 =	vpop (erf)  }
0xdb: {  	v43 =	vld [tilespmem:s22+$0x200];
	s1 =	sshll.u32 s0, $0x5;
	v16 =	vadd.f32 v39, v39;
	v9 =	vmul.f32 v9, v0;
	v13 =	vmul.f32 v13, v6  }
0xdc: {  	v41 =	vmul.f32 $1.442695020e+00, v14;
	s17 =	rddreg [dreg:$0x4];
	s1 =	sand.u32 $0x3FFFFE00, s1;
	v10 =	vadd.f32 v10, v7;
	v42 =	vadd.f32 $1.000000000e+00, v19  }
0xdd: {  	v44 =	vld [tilespmem:s20+$0x0];
	s19 =	rddreg [dreg:$0x10];
	(erf) = vrcp.f32 v15;
	s10 =	sadd.s32 s1, s17;
	v16 =	vsub.f32 $1.000000000e+00, v16;
	v9 =	vadd.f32 v13, v9  }
0xde: {  	s23 =	sor.u32 $0x70, s4;
	v46 =	vld [tilespmem:s20+$0x200];
	(erf) = vrcp.f32 v17;
	s1 =	sadd.s32 s19, s10;
	v10 =	vadd.f32 v10, v10;
	v45 =	vmul.f32 v20, v0  }
0xdf: {  	v22 =	vld [tilespmem:s24+$0x400];
	s28 =	sadd.s32 s23, s8;
	v7 =	vpop (erf);
	(erf) = vrcp.f32 v42;
	v21 =	vmul.f32 v21, v6;
	[tilespmem:s1+$0x0] =	vst v16;
	v9 =	vadd.f32 v9, v38  }
0xe0: {  	v8 =	vpop (erf);
	v15 =	vmul.f32 v40, v0;
	v19 =	vmul.f32 v43, v6;
	v48 =	vld [tilespmem:s28+$0x0]  }
0xe1: {  	v47 =	vpop (erf);
	(erf) = vrcp.f32 v18;
	v10 =	vmul.f32 $1.442695020e+00, v10;
	v49 =	vld [tilespmem:s28+$0x200];
	v9 =	vadd.f32 v9, v9  }
0xe2: {  	v50 =	vld [tilespmem:s22+$0x400];
	v53 =	vmul.f32 v44, v0;
	v20 =	vadd.f32 $1.000000000e+00, v47;
	(erf) = vpow2.f32 v41  }
0xe3: {  	v51 =	vld [tilespmem:s20+$0x400];
	(erf) = vpow2.f32 v10;
	v9 =	vmul.f32 $1.442695020e+00, v9  }
0xe4: {  	v14 =	vmul.f32 v46, v6;
	(erf) = vrcp.f32 v20  }
0xe5: {  	v52 =	vadd.f32 v21, v45;
	v15 =	vadd.f32 v19, v15;
	v23 =	vld [tilespmem:s28+$0x400];
	(erf) = vpow2.f32 v9  }
0xe6: {  	v14 =	vadd.f32 v14, v53;
	v54 =	vmul.f32 v48, v3;
	v13 =	vmul.f32 v49, v2  }
0xe7: {  	v56 =	vadd.f32 v52, v22;
	v10 =	vadd.f32 v15, v50;
	v55 =	vpop (erf)  }
0xe8: {  	v14 =	vadd.f32 v14, v51;
	v57 =	vpop (erf);
	v13 =	vadd.f32 v13, v54  }
0xe9: {  	v58 =	vadd.f32 v56, v56;
	v10 =	vadd.f32 v10, v10;
	v9 =	vpop (erf)  }
0xea: {  	v59 =	vpop (erf);
	v13 =	vadd.f32 v13, v23  }
0xeb: {  	v14 =	vadd.f32 v14, v14;
	v15 =	vmul.f32 $1.442695020e+00, v58;
	v60 =	vpop (erf)  }
0xec: {  	v61 =	vmul.f32 $1.442695020e+00, v10;
	v62 =	vpop (erf);
	v13 =	vadd.f32 v13, v13  }
0xed: {  	v14 =	vmul.f32 $1.442695020e+00, v14;
	(erf) = vpow2.f32 v15;
	v10 =	vpop (erf)  }
0xee: {  	(erf) = vpow2.f32 v61;
	v13 =	vmul.f32 $1.442695020e+00, v13;
	v63 =	vpop (erf)  }
0xef: {  	(erf) = vpow2.f32 v14;
	v15 =	vadd.f32 $1.000000000e+00, v63  }
0xf0: {  	(erf) = vpow2.f32 v13  }
0xf1: {  	v20 =	vld [tilespmem:s9+$0x400];
	(erf) = vrcp.f32 v15  }
0xf2: {  	v1 =	vmul.f32 v11, v1  }
0xf3: {  	v22 =	vadd.f32 v55, v55  }
0xf4: {  	v1 =	vadd.f32 v1, v12  }
0xf5: {  	s21 =	smov.u32 s4;
	v24 =	vadd.f32 v57, v57;
	v11 =	vsub.f32 $1.000000000e+00, v22  }
0xf6: {  	s0 =	sadd.s32 s21, s10;
	v1 =	vadd.f32 v1, v20;
	v23 =	vpop (erf)  }
0xf7: {  	v28 =	vsub.f32 $1.000000000e+00, v24;
	[tilespmem:s0+$0x0] =	vst v11;
	v25 =	vpop (erf)  }
0xf8: {  	v1 =	vadd.f32 v1, v1;
	s0 =	rddreg [dreg:$0xe];
	v26 =	vadd.f32 $1.000000000e+00, v60;
	v27 =	vpop (erf)  }
0xf9: {  	s0 =	sadd.s32 s0, s10;
	v29 =	vadd.f32 $1.000000000e+00, v62;
	v30 =	vpop (erf)  }
0xfa: {  	v31 =	vld [tilespmem:s13+$0x0];
	v1 =	vmul.f32 $1.442695020e+00, v1;
	[tilespmem:s0+$0x0] =	vst v28;
	(erf) = vrcp.f32 v26;
	v32 =	vpop (erf)  }
0xfb: {  	s1 =	sshll.u32 s15, $0x5;
	v33 =	vld [tilespmem:s13+$0x200];
	s2 =	rddreg [dreg:$0x12];
	v12 =	vadd.f32 $1.000000000e+00, v23;
	(erf) = vrcp.f32 v29;
	v34 =	vadd.f32 v32, v32  }
0xfc: {  	s0 =	sand.u32 $0x3FFFFE00, s1;
	v35 =	vld [tilespmem:s2+$0x0];
	(erf) = vpow2.f32 v1  }
0xfd: {  	s0 =	sadd.s32 s0, s17;
	v36 =	vld [tilespmem:s2+$0x200];
	v14 =	vadd.f32 $1.000000000e+00, v25;
	(erf) = vrcp.f32 v12;
	v37 =	vsub.f32 $1.000000000e+00, v34  }
0xfe: {  	s8 =	sor.u32 $0x70, s14;
	s5 =	sadd.s32 s18, s0  }
0xff: {  	s9 =	sadd.s32 s8, s3;
	v38 =	vld [tilespmem:s13+$0x400];
	(erf) = vrcp.f32 v14;
	[tilespmem:s5+$0x0] =	vst v37  }
0x100: {  	v11 =	vmul.f32 v33, v2;
	v12 =	vld [tilespmem:s9+$0x0]  }
0x101: {  	v17 =	vadd.f32 v59, v59;
	v40 =	vmul.f32 v31, v3;
	v41 =	vld [tilespmem:s9+$0x200]  }
0x102: {  	v39 =	vld [tilespmem:s2+$0x400];
	v42 =	vmul.f32 v36, v2;
	v15 =	vmul.f32 v35, v3  }
0x103: {  	v17 =	vsub.f32 $1.000000000e+00, v17;
	v1 =	vpop (erf)  }
0x104: {  	v15 =	vadd.f32 v42, v15;
	v14 =	vadd.f32 v11, v40;
	v11 =	vpop (erf)  }
0x105: {  	v16 =	vadd.f32 $1.000000000e+00, v27;
	v44 =	vadd.f32 $1.000000000e+00, v30;
	v45 =	vpop (erf);
	v43 =	vld [tilespmem:s9+$0x400]  }
0x106: {  	v13 =	vadd.f32 v14, v38;
	v46 =	vpop (erf);
	s13 =	rddreg [dreg:$0xd];
	v12 =	vmul.f32 v12, v0;
	v19 =	vmul.f32 v41, v6  }
0x107: {  	v15 =	vadd.f32 v15, v39;
	(erf) = vrcp.f32 v44;
	s2 =	sadd.s32 s13, s10;
	v20 =	vadd.f32 v46, v46  }
0x108: {  	(erf) = vrcp.f32 v16;
	v13 =	vadd.f32 v13, v13;
	[tilespmem:s2+$0x0] =	vst v17;
	v47 =	vpop (erf);
	v12 =	vadd.f32 v19, v12  }
0x109: {  	s5 =	rddreg [dreg:$0x11];
	v49 =	vsub.f32 $1.000000000e+00, v20;
	v14 =	vadd.f32 v47, v47  }
0x10a: {  	s14 =	sadd.s32 s14, s0;
	v15 =	vadd.f32 v15, v15;
	v13 =	vmul.f32 $1.442695020e+00, v13;
	v48 =	vld [tilespmem:s5+$0x0];
	v12 =	vadd.f32 v12, v43  }
0x10b: {  	s15 =	sadd.s32 s12, s3;
	v50 =	vld [tilespmem:s5+$0x200];
	[tilespmem:s14+$0x0] =	vst v49;
	v14 =	vsub.f32 $1.000000000e+00, v14  }
0x10c: {  	s16 =	sadd.s32 s16, s0;
	v52 =	vmul.f32 $1.442695020e+00, v15;
	(erf) = vpow2.f32 v13;
	v53 =	vld [tilespmem:s15+$0x0];
	v12 =	vadd.f32 v12, v12  }
0x10d: {  	s18 =	sadd.s32 s6, s3;
	v54 =	vadd.f32 $1.000000000e+00, v45;
	v55 =	vld [tilespmem:s15+$0x200];
	[tilespmem:s16+$0x0] =	vst v14  }
0x10e: {  	(erf) = vpow2.f32 v52;
	v56 =	vld [tilespmem:s18+$0x0];
	v12 =	vmul.f32 $1.442695020e+00, v12  }
0x10f: {  	(erf) = vrcp.f32 v54;
	v58 =	vld [tilespmem:s18+$0x200]  }
0x110: {  	v51 =	vld [tilespmem:s5+$0x400];
	v60 =	vpop (erf);
	(erf) = vpow2.f32 v12  }
0x111: {  	v62 =	vpop (erf);
	v57 =	vmul.f32 v48, v3;
	v59 =	vmul.f32 v50, v2  }
0x112: {  	v61 =	vld [tilespmem:s15+$0x400];
	v3 =	vadd.f32 v62, v62  }
0x113: {  	v63 =	vld [tilespmem:s18+$0x400];
	v2 =	vadd.f32 v59, v57;
	v15 =	vmul.f32 v53, v0;
	v18 =	vmul.f32 v55, v6  }
0x114: {  	v3 =	vsub.f32 $1.000000000e+00, v3;
	v13 =	vmul.f32 v56, v0;
	v14 =	vmul.f32 v58, v6  }
0x115: {  	v20 =	vpop (erf);
	v2 =	vadd.f32 v2, v51;
	v15 =	vadd.f32 v18, v15  }
0x116: {  	v17 =	vadd.f32 $1.000000000e+00, v20;
	v13 =	vadd.f32 v14, v13  }
0x117: {  	v21 =	vpop (erf);
	v2 =	vadd.f32 v2, v2;
	v15 =	vadd.f32 v15, v61  }
0x118: {  	v22 =	vpop (erf);
	v14 =	vadd.f32 $1.000000000e+00, v21;
	v13 =	vadd.f32 v13, v63  }
0x119: {  	s19 =	sadd.s32 s25, s0;
	(erf) = vrcp.f32 v17;
	v2 =	vmul.f32 $1.442695020e+00, v2;
	v15 =	vadd.f32 v15, v15;
	v23 =	vpop (erf)  }
0x11a: {  	s20 =	sadd.s32 s7, s3;
	[tilespmem:s19+$0x0] =	vst v3;
	(erf) = vrcp.f32 v14;
	v13 =	vadd.f32 v13, v13;
	v24 =	vadd.f32 $1.000000000e+00, v23  }
0x11b: {  	v25 =	vld [tilespmem:s20+$0x0];
	(erf) = vpow2.f32 v2;
	v26 =	vmul.f32 $1.442695020e+00, v15  }
0x11c: {  	v27 =	vld [tilespmem:s20+$0x200];
	v28 =	vmul.f32 $1.442695020e+00, v13;
	(erf) = vrcp.f32 v24  }
0x11d: {  	(erf) = vpow2.f32 v26  }
0x11e: {  	(erf) = vpow2.f32 v28;
	_ =	sdelay $0x1  }
0x11f: {  	v29 =	vld [tilespmem:s20+$0x400]  }
0x120: {  	v0 =	vmul.f32 v25, v0;
	v30 =	vmul.f32 v27, v6  }
0x121: {  	v31 =	vpop (erf)  }
0x122: {  	v0 =	vadd.f32 v30, v0;
	v32 =	vpop (erf)  }
0x123: {  	v33 =	vpop (erf)  }
0x124: {  	v0 =	vadd.f32 v0, v29;
	v34 =	vpop (erf)  }
0x125: {  	v35 =	vadd.f32 $1.000000000e+00, v33;
	v36 =	vpop (erf)  }
0x126: {  	v0 =	vadd.f32 v0, v0;
	v37 =	vpop (erf);
	v13 =	vadd.f32 $1.000000000e+00, v36  }
0x127: {  	(erf) = vrcp.f32 v35;
	v38 =	vadd.f32 $1.000000000e+00, v37  }
0x128: {  	v0 =	vmul.f32 $1.442695020e+00, v0;
	(erf) = vrcp.f32 v13  }
0x129: {  	v7 =	vadd.f32 v7, v7;
	(erf) = vrcp.f32 v38  }
0x12a: {  	v44 =	vadd.f32 v8, v8;
	(erf) = vpow2.f32 v0  }
0x12b: {  	v7 =	vsub.f32 $1.000000000e+00, v7;
	s21 =	rddreg [dreg:$0x5]  }
0x12c: {  	v47 =	vsub.f32 $1.000000000e+00, v44;
	v48 =	vadd.f32 v60, v60;
	[tilespmem:s21+$0x0] =	vst v5  }
0x12d: {  	v46 =	vadd.f32 v10, v10;
	s2 =	rddreg [dreg:$0x6];
	[tilespmem:s31+$0x0] =	vst v7  }
0x12e: {  	v40 =	vadd.f32 v9, v9;
	v49 =	vsub.f32 $1.000000000e+00, v48;
	[tilespmem:s11+$0x0] =	vst v47  }
0x12f: {  	s23 =	sadd.s32 s23, s10;
	[tilespmem:s2+$0x0] =	vst v4;
	v4 =	vsub.f32 $1.000000000e+00, v46  }
0x130: {  	v1 =	vadd.f32 v1, v1;
	[tilespmem:s23+$0x0] =	vst v49;
	v2 =	vsub.f32 $1.000000000e+00, v40;
	v39 =	vpop (erf)  }
0x131: {  	s22 =	sadd.s32 s29, s26;
	v50 =	vadd.f32 v11, v11;
	[tilespmem:s30+$0x0] =	vst v4;
	v41 =	vpop (erf)  }
0x132: {  	v1 =	vsub.f32 $1.000000000e+00, v1;
	[tilespmem:s22+$0x0] =	vst v2;
	v42 =	vpop (erf)  }
0x133: {  	v52 =	vsub.f32 $1.000000000e+00, v50;
	s2 =	rddreg [dreg:$0xc];
	v43 =	vpop (erf)  }
0x134: {  	v51 =	vadd.f32 v22, v22;
	[tilespmem:s2+$0x0] =	vst v1;
	v45 =	vadd.f32 $1.000000000e+00, v43  }
0x135: {  	s2 =	rddreg [dreg:$0xb];
	v53 =	vadd.f32 v34, v34  }
0x136: {  	v54 =	vsub.f32 $1.000000000e+00, v51;
	[tilespmem:s2+$0x0] =	vst v52;
	(erf) = vrcp.f32 v45  }
0x137: {  	s2 =	rddreg [dreg:$0x7];
	v56 =	vsub.f32 $1.000000000e+00, v53  }
0x138: {  	s1 =	sadd.s32 s8, s0;
	v55 =	vadd.f32 v31, v31;
	[tilespmem:s2+$0x0] =	vst v54  }
0x139: {  	[tilespmem:s1+$0x0] =	vst v56  }
0x13a: {  	v57 =	vsub.f32 $1.000000000e+00, v55;
	s1 =	rddreg [dreg:$0x8]  }
0x13b: {  	v3 =	vadd.f32 v32, v32;
	s1 =	sadd.s32 s1, s10  }
0x13c: {  	v0 =	vadd.f32 v39, v39;
	[tilespmem:s1+$0x0] =	vst v57  }
0x13d: {  	v58 =	vsub.f32 $1.000000000e+00, v3;
	s1 =	rddreg [dreg:$0x9];
	v59 =	vadd.f32 v41, v41  }
0x13e: {  	v0 =	vsub.f32 $1.000000000e+00, v0;
	s2 =	rddreg [dreg:$0xa];
	s1 =	sadd.s32 s1, s10  }
0x13f: {  	s2 =	sadd.s32 s2, s10;
	[tilespmem:s1+$0x0] =	vst v58;
	v61 =	vadd.f32 v42, v42;
	v62 =	vsub.f32 $1.000000000e+00, v59;
	v60 =	vpop (erf)  }
0x140: {  	s24 =	sadd.s32 s12, s0;
	[tilespmem:s2+$0x0] =	vst v0;
	v1 =	vadd.f32 v60, v60  }
0x141: {  	v63 =	vsub.f32 $1.000000000e+00, v61;
	[tilespmem:s24+$0x0] =	vst v62  }
0x142: {  	s25 =	sadd.s32 s6, s0;
	s2 =	rddreg [dreg:$0x17];
	v1 =	vsub.f32 $1.000000000e+00, v1  }
0x143: {  	s0 =	sadd.s32 s7, s0;
	s26 =	rddreg [dreg:$0x3];
	[tilespmem:s25+$0x0] =	vst v63  }
0x144: {  	[tilespmem:s0+$0x0] =	vst v1  }
0x145: {  	s31 =	rddreg [dreg:$0x1a]  }
0x146: {  	s6 =	sadd.s32 $0x1, s31  }
0x147: {  	p0 =	sne.s32 s6, $0xA  }
.Ltmp1:
0x148: {  	_ = 	snop;
	(pc) =	sbr.rel @p0 .LBB2_2-.Ltmp1, $4  }
0x149: {  	s2 =	sadd.s32 s2, s26  }
0x14a: {  	s29 =	rddreg [dreg:$0x1];
	s28 =	sshll.u32 s2, $0x6  }
0x14b: {  	s30 =	simm.s32 $0x0;
	s0 =	sadd.s32 s29, s28  }
0x14c: {  	[hbm4b:s0+s30] =	stream.linear.scatter [tilespmem:s17], [sflag:$0x1], $0x3200, $0x38;
	[tilespmem:$0x7F18] =	vst v63  }
0x14d: {  	s1 =	simm.s32 $0x1  }
0x14e: {  	_ =	swait.ge [sflag:s1], $0x3200  }
0x14f: {  	[sflag:s1] =	ssyncset.done $0x0  }
0x150: {  	[sflag:s1] =	ssyncadd.s32 $0xFFFFCE00  }
0x151: {  	_ =	swait.ge [sflag:s1], $0x3200  }
0x152: {  	s2 =	rddreg [dreg:$0x19]  }
0x153: {  	s0 =	rddreg [dreg:$0x18];
	s2 =	sadd.s32 $0x1, s2  }
0x154: {  	p0 =	sne.s32 s2, s0  }
.Ltmp2:
0x155: {  	_ = 	snop;
	(pc) =	sbr.rel @p0 .LBB2_1-.Ltmp2, $3  }
0x156: {  	_ =	sdelay $0x1  }
0x157: {  	[sflag:s1] =	ssyncset.done $0x0  }
0x158: {  	[sflag:s1] =	ssyncadd.s32 $0xFFFFCE00  }
0x159: {  	_ =	sfence.sel $0x180000  }
0x15a: {  	[bflag:$0x0] =	sbarrier.arrive $0xFFFF  }
0x15b: {  	_ =	strace $0x90000047  }
0x15c: {  	s0 =	stileid.u32;
	[bflag:$0x2] =	sbarrier.arrive $0xFFFF  }
0x15d: {  	p0 =	sne.s32 s0, $0x0;
	s0 =	rddreg [dreg:$0x2]  }
0x15e: {  	s0 =	sadd.s32 @!p0 $0x100000, s0  }
0x15f: {  	[sflag:s0] =	ssyncadd.tile.s32 @!p0 $0x1;
	_ =	shalt  }
.Lfunc_end2:
_tile_overlayer_lowered:
.L_overlay_start_2:
0x160: {  	(tag) =	ssettag $0x2  }
0x161: {  	s0 =	rddreg [dreg:$0x0];
	s2 =	stileid.u32  }
0x162: {  	s1 =	rddreg [dreg:$0x1];
	p0 =	sne.s32 s2, $0x0  }
0x163: {  	s3 =	rddreg [dreg:$0x2];
	[bflag:$0x3] =	sbarrier.arrive $0xFFFF;
	s2 =	simm.s32 @!p0 $0x1C02  }
0x164: {  	[timem:s3], [sflag:s2] =	dma.local @!p0 [hbm:s0], s1  }
0x165: {  	s0 =	simm.s32 @!p0 $0x2  }
0x166: {  	_ =	swait.ge @!p0 [sflag:s0], s1  }
0x167: {  	s1 =	ssub.s32 @!p0 $0x0, s1;
	[sflag:s0] =	ssyncset.done @!p0 $0x0  }
0x168: {  	[sflag:s0] =	ssyncadd.s32 @!p0 s1  }
0x169: {  	[bflag:$0x3] =	sbarrier.arrive $0xFFFF  }
0x16a: {  	_ =	shalt  }

</sc_bundles>
